<compile_context>
chip_gen: v7x
topology: tpu7x:2x2x1
jax: 0.10.2.dev20260603
libtpu: 0.0.44.dev20260713+nightly
codegen_flags: <defaults>
</compile_context>

<pallas_src>
import functools

import jax
import jax.numpy as jnp
from jax import lax
from jax.experimental import pallas as pl
from jax.experimental.pallas import tpu as pltpu
from jax.experimental.pallas import tpu_sc as plsc

N = 100000
D = 128
M = N - 1


_NC, _NS = 2, 16
_NW = _NC * _NS
_SUB = 128
_NSUB = -(-N // (_NW * _SUB))
_CPW = _NSUB * _SUB
_NPAD = _NW * _CPW
_NBUF = 6
_AHEAD = 4


def _gather_body(x_hbm, idx_hbm, xg_hbm, idx_v, *rest):
    bufs = rest[:_NBUF]
    sg = rest[_NBUF:2 * _NBUF]
    ss = rest[2 * _NBUF:3 * _NBUF]
    wid = lax.axis_index("s") * _NC + lax.axis_index("c")
    base = wid * _CPW
    pltpu.sync_copy(idx_hbm.at[wid], idx_v)

    pend_g = [None] * _NBUF
    pend_s = [None] * _NBUF

    def _issue(k):
        p = k % _NBUF
        if pend_s[p] is not None:
            pend_s[p].wait()
        pend_g[p] = pltpu.async_copy(x_hbm.at[idx_v.at[k]], bufs[p], sg[p])

    for k in range(min(_AHEAD, _NSUB)):
        _issue(k)
    for k in range(_NSUB):
        p = k % _NBUF
        if k + _AHEAD < _NSUB:
            _issue(k + _AHEAD)
        pend_g[p].wait()
        row0 = pl.multiple_of(base + k * _SUB, 8)
        pend_s[p] = pltpu.async_copy(bufs[p], xg_hbm.at[pl.ds(row0, _SUB)],
                                     ss[p])
    for p in range(_NBUF):
        if pend_s[p] is not None:
            pend_s[p].wait()


def _gather(x, idx):
    call = functools.partial(
        pl.kernel,
        out_type=jax.ShapeDtypeStruct((_NPAD, D), jnp.float32),
        mesh=plsc.VectorSubcoreMesh(
            core_axis_name="c", subcore_axis_name="s",
            num_cores=_NC, num_subcores=_NS),
        scratch_types=(
            [pltpu.VMEM((_NSUB, _SUB), jnp.int32)]
            + [pltpu.VMEM((_SUB, D), jnp.float32)] * _NBUF
            + [pltpu.SemaphoreType.DMA] * (2 * _NBUF)
        ),
    )(_gather_body)
    return call(x, idx)



_ROWS = 4000


def _elu(v):
    return jnp.where(v > 0, v, jnp.exp(v) - 1.0)


def _mlp_max_body(x_ref, xg_ref, w1_ref, b1_ref, w2_ref, b2_ref, o_ref):
    def mlp(v):
        h = jnp.dot(v, w1_ref[...], preferred_element_type=jnp.float32)
        h = _elu(h + b1_ref[...])
        h = jnp.dot(h, w2_ref[...], preferred_element_type=jnp.float32)
        return _elu(h + b2_ref[...])

    o_ref[...] = jnp.maximum(mlp(x_ref[...]), mlp(xg_ref[...]))


def _mlp_max(x, xg, W1, b1, W2, b2):
    grid = (-(-M // _ROWS),)
    return pl.pallas_call(
        _mlp_max_body,
        grid=grid,
        in_specs=[
            pl.BlockSpec((_ROWS, D), lambda i: (i, 0)),
            pl.BlockSpec((_ROWS, D), lambda i: (i, 0)),
            pl.BlockSpec((D, D), lambda i: (0, 0)),
            pl.BlockSpec((1, D), lambda i: (0, 0)),
            pl.BlockSpec((D, D), lambda i: (0, 0)),
            pl.BlockSpec((1, D), lambda i: (0, 0)),
        ],
        out_specs=pl.BlockSpec((_ROWS, D), lambda i: (i, 0)),
        out_shape=jax.ShapeDtypeStruct((M, D), jnp.float32),
    )(x, xg, W1, b1.reshape(1, D), W2, b2.reshape(1, D))


def kernel(x, edge_index, W1, b1, W2, b2):
    col0 = edge_index[:, 0].astype(jnp.int32)
    idx = jnp.concatenate(
        [col0[:M], jnp.zeros((_NPAD - M,), jnp.int32)]
    ).reshape(_NW, _NSUB, _SUB)
    xg = _gather(x, idx)
    return _mlp_max(x, xg, W1, b1, W2, b2)

# --- scband reference (transcript-rebuilt; emitter-appended) ---
"""Pipeline reference for scband-gnnencoder-76922864271847 (READ-ONLY COPY).

The authoritative reference and input builder live on the scoring server;
editing this copy changes nothing except your own understanding.
"""

import jax, jax.numpy as jnp
import numpy as np

N = 100000
NTIPS = 128
HIDDEN = 128

def setup_inputs(seed: int = 0) -> dict:
    key = jax.random.key(seed)
    k_x, k_e, k_w1, k_b1, k_w2, k_b2 = jax.random.split(key, 6)
    x = jax.random.normal(k_x, (N, NTIPS), dtype=jnp.float32)
    edge_index = jax.random.randint(k_e, (N, 3), 0, N, dtype=jnp.int64)
    # MeanStdPooling params: Linear(ntips->hidden), ELU, Linear(hidden->hidden), ELU
    lim1 = 1.0 / np.sqrt(NTIPS)
    lim2 = 1.0 / np.sqrt(HIDDEN)
    W1 = jax.random.uniform(k_w1, (NTIPS, HIDDEN), dtype=jnp.float32, minval=-lim1, maxval=lim1)
    b1 = jax.random.uniform(k_b1, (HIDDEN,), dtype=jnp.float32, minval=-lim1, maxval=lim1)
    W2 = jax.random.uniform(k_w2, (HIDDEN, HIDDEN), dtype=jnp.float32, minval=-lim2, maxval=lim2)
    b2 = jax.random.uniform(k_b2, (HIDDEN,), dtype=jnp.float32, minval=-lim2, maxval=lim2)
    return {"x": x, "edge_index": edge_index, "W1": W1, "b1": b1, "W2": W2, "b2": b2}

def reference(x, edge_index, W1, b1, W2, b2):
    # gnn_type='identity': GNN is a passthrough (IDConv), node_features unchanged.
    h = x
    # MeanStdPooling.net: Linear -> ELU -> Linear -> ELU
    mean_std = jax.nn.elu(jnp.dot(h, W1) + b1)
    mean_std = jax.nn.elu(jnp.dot(mean_std, W2) + b2)
    # parent_index = edge_index[:-1, 0]; gather parents and take elementwise max
    parent_index = edge_index[:-1, 0]
    out = jnp.maximum(mean_std[:-1], jnp.take(mean_std, parent_index, axis=0))
    return out

if __name__ == "__main__":
    import jax
    _d = setup_inputs()
    print(jax.jit(kernel)(*tuple(_d.values())))

</pallas_src>

<mosaic_0001>
#map = affine_map<(d0, d1) -> (0, 0)>
#map1 = affine_map<(d0, d1) -> (0, 0, 0)>
module attributes {stable_mosaic.version = 14 : i64} {
  func.func @_gather_body(%arg0: i32, %arg1: i32, %arg2: memref<100000x128xf32, #tpu.memory_space<hbm>>, %arg3: memref<32x25x128xi32, #tpu.memory_space<hbm>>, %arg4: memref<102400x128xf32, #tpu.memory_space<hbm>>, %arg5: memref<25x128xi32, #tpu.memory_space<vmem>>, %arg6: memref<128x128xf32, #tpu.memory_space<vmem>>, %arg7: memref<128x128xf32, #tpu.memory_space<vmem>>, %arg8: memref<128x128xf32, #tpu.memory_space<vmem>>, %arg9: memref<128x128xf32, #tpu.memory_space<vmem>>, %arg10: memref<128x128xf32, #tpu.memory_space<vmem>>, %arg11: memref<128x128xf32, #tpu.memory_space<vmem>>, %arg12: memref<!tpu.dma_semaphore, #tpu.memory_space<semaphore_mem>>, %arg13: memref<!tpu.dma_semaphore, #tpu.memory_space<semaphore_mem>>, %arg14: memref<!tpu.dma_semaphore, #tpu.memory_space<semaphore_mem>>, %arg15: memref<!tpu.dma_semaphore, #tpu.memory_space<semaphore_mem>>, %arg16: memref<!tpu.dma_semaphore, #tpu.memory_space<semaphore_mem>>, %arg17: memref<!tpu.dma_semaphore, #tpu.memory_space<semaphore_mem>>, %arg18: memref<!tpu.dma_semaphore, #tpu.memory_space<semaphore_mem>>, %arg19: memref<!tpu.dma_semaphore, #tpu.memory_space<semaphore_mem>>, %arg20: memref<!tpu.dma_semaphore, #tpu.memory_space<semaphore_mem>>, %arg21: memref<!tpu.dma_semaphore, #tpu.memory_space<semaphore_mem>>, %arg22: memref<!tpu.dma_semaphore, #tpu.memory_space<semaphore_mem>>, %arg23: memref<!tpu.dma_semaphore, #tpu.memory_space<semaphore_mem>>) attributes {dimension_semantics = [#tpu.dimension_semantics<core_parallel>, #tpu.dimension_semantics<subcore_parallel>], iteration_bounds = array<i64: 2, 16>, scalar_prefetch = 0 : i64, scratch_operands = 19 : i64, tpu.core_type = #tpu.core_type<sc_vector_subcore>, window_params = [{transform_indices = #map}, {transform_indices = #map1}, {transform_indices = #map}]} {
    %mul3A = arith.constant 2 : i32
    %mul3A_0 = arith.muli %arg1, %mul3A : i32
    %add3A = arith.addi %mul3A_0, %arg0 : i32
    %mul3A_1 = arith.constant 3200 : i32
    %mul3A_2 = arith.muli %add3A, %mul3A_1 : i32
    "tpu.region"() ({
      %run_scoped3A = tpu.sem_alloc : memref<!tpu.dma_semaphore, #tpu.memory_space<semaphore_mem>>
      %dma_start3A_625 = arith.constant 0 : i32
      %dma_start3A_626 = arith.constant 0 : i32
      %dma_start3A_627 = tpu.memref_slice %arg3[%add3A, %dma_start3A_625, %dma_start3A_626] : memref<32x25x128xi32, #tpu.memory_space<hbm>> -> memref<1x25x128xi32, #tpu.memory_space<hbm>>
      %dma_start3A_628 = tpu.memref_squeeze %dma_start3A_627 : memref<1x25x128xi32, #tpu.memory_space<hbm>> -> memref<25x128xi32, #tpu.memory_space<hbm>>
      %dma_start3A_629 = arith.constant 0 : i32
      %dma_start3A_630 = arith.constant 0 : i32
      %dma_start3A_631 = tpu.memref_slice %arg3[%add3A, %dma_start3A_629, %dma_start3A_630] : memref<32x25x128xi32, #tpu.memory_space<hbm>> -> memref<1x25x128xi32, #tpu.memory_space<hbm>>
      %dma_start3A_632 = tpu.memref_squeeze %dma_start3A_631 : memref<1x25x128xi32, #tpu.memory_space<hbm>> -> memref<25x128xi32, #tpu.memory_space<hbm>>
      tpu.enqueue_dma source(%dma_start3A_632 : memref<25x128xi32, #tpu.memory_space<hbm>>) target(%arg5 : memref<25x128xi32, #tpu.memory_space<vmem>>) target_semaphore(%run_scoped3A : memref<!tpu.dma_semaphore, #tpu.memory_space<semaphore_mem>>)
      %dma_wait3A_633 = arith.constant 0 : i32
      %dma_wait3A_634 = arith.constant 0 : i32
      %dma_wait3A_635 = tpu.memref_slice %arg3[%add3A, %dma_wait3A_633, %dma_wait3A_634] : memref<32x25x128xi32, #tpu.memory_space<hbm>> -> memref<1x25x128xi32, #tpu.memory_space<hbm>>
      %dma_wait3A_636 = tpu.memref_squeeze %dma_wait3A_635 : memref<1x25x128xi32, #tpu.memory_space<hbm>> -> memref<25x128xi32, #tpu.memory_space<hbm>>
      %dma_wait3A_637 = arith.constant 0 : i32
      %dma_wait3A_638 = arith.constant 0 : i32
      %dma_wait3A_639 = tpu.memref_slice %arg3[%add3A, %dma_wait3A_637, %dma_wait3A_638] : memref<32x25x128xi32, #tpu.memory_space<hbm>> -> memref<1x25x128xi32, #tpu.memory_space<hbm>>
      %dma_wait3A_640 = tpu.memref_squeeze %dma_wait3A_639 : memref<1x25x128xi32, #tpu.memory_space<hbm>> -> memref<25x128xi32, #tpu.memory_space<hbm>>
      tpu.wait_dma2 semaphore(%run_scoped3A : memref<!tpu.dma_semaphore, #tpu.memory_space<semaphore_mem>>) src(%dma_wait3A_640 : memref<25x128xi32, #tpu.memory_space<hbm>>) dst(%arg5 : memref<25x128xi32, #tpu.memory_space<vmem>>)
      tpu.yield
    }) : () -> ()
    %dma_start3A = arith.constant 0 : i32
    %dma_start3A_3 = arith.constant 0 : i32
    %dma_start3A_4 = tpu.memref_slice %arg5[%dma_start3A, %dma_start3A_3] : memref<25x128xi32, #tpu.memory_space<vmem>> -> memref<1x128xi32, #tpu.memory_space<vmem>>
    %dma_start3A_5 = tpu.memref_squeeze %dma_start3A_4 : memref<1x128xi32, #tpu.memory_space<vmem>> -> memref<128xi32, #tpu.memory_space<vmem>>
    %dma_start3A_6 = arith.constant 0 : i32
    %dma_start3A_7 = arith.constant 0 : i32
    %dma_start3A_8 = tpu.memref_slice %arg2[%dma_start3A_6, %dma_start3A_7] : memref<100000x128xf32, #tpu.memory_space<hbm>> -> memref<100000x128xf32, #tpu.memory_space<hbm>>
    tpu.enqueue_indirect_dma source(%dma_start3A_8 : memref<100000x128xf32, #tpu.memory_space<hbm>>) target(%arg6 : memref<128x128xf32, #tpu.memory_space<vmem>>) offsets(%dma_start3A_5 : memref<128xi32, #tpu.memory_space<vmem>>) semaphore(%arg12 : memref<!tpu.dma_semaphore, #tpu.memory_space<semaphore_mem>>)
    %dma_start3A_9 = arith.constant 1 : i32
    %dma_start3A_10 = arith.constant 0 : i32
    %dma_start3A_11 = tpu.memref_slice %arg5[%dma_start3A_9, %dma_start3A_10] : memref<25x128xi32, #tpu.memory_space<vmem>> -> memref<1x128xi32, #tpu.memory_space<vmem>>
    %dma_start3A_12 = tpu.memref_squeeze %dma_start3A_11 : memref<1x128xi32, #tpu.memory_space<vmem>> -> memref<128xi32, #tpu.memory_space<vmem>>
    %dma_start3A_13 = arith.constant 0 : i32
    %dma_start3A_14 = arith.constant 0 : i32
    %dma_start3A_15 = tpu.memref_slice %arg2[%dma_start3A_13, %dma_start3A_14] : memref<100000x128xf32, #tpu.memory_space<hbm>> -> memref<100000x128xf32, #tpu.memory_space<hbm>>
    tpu.enqueue_indirect_dma source(%dma_start3A_15 : memref<100000x128xf32, #tpu.memory_space<hbm>>) target(%arg7 : memref<128x128xf32, #tpu.memory_space<vmem>>) offsets(%dma_start3A_12 : memref<128xi32, #tpu.memory_space<vmem>>) semaphore(%arg13 : memref<!tpu.dma_semaphore, #tpu.memory_space<semaphore_mem>>)
    %dma_start3A_16 = arith.constant 2 : i32
    %dma_start3A_17 = arith.constant 0 : i32
    %dma_start3A_18 = tpu.memref_slice %arg5[%dma_start3A_16, %dma_start3A_17] : memref<25x128xi32, #tpu.memory_space<vmem>> -> memref<1x128xi32, #tpu.memory_space<vmem>>
    %dma_start3A_19 = tpu.memref_squeeze %dma_start3A_18 : memref<1x128xi32, #tpu.memory_space<vmem>> -> memref<128xi32, #tpu.memory_space<vmem>>
    %dma_start3A_20 = arith.constant 0 : i32
    %dma_start3A_21 = arith.constant 0 : i32
    %dma_start3A_22 = tpu.memref_slice %arg2[%dma_start3A_20, %dma_start3A_21] : memref<100000x128xf32, #tpu.memory_space<hbm>> -> memref<100000x128xf32, #tpu.memory_space<hbm>>
    tpu.enqueue_indirect_dma source(%dma_start3A_22 : memref<100000x128xf32, #tpu.memory_space<hbm>>) target(%arg8 : memref<128x128xf32, #tpu.memory_space<vmem>>) offsets(%dma_start3A_19 : memref<128xi32, #tpu.memory_space<vmem>>) semaphore(%arg14 : memref<!tpu.dma_semaphore, #tpu.memory_space<semaphore_mem>>)
    %dma_start3A_23 = arith.constant 3 : i32
    %dma_start3A_24 = arith.constant 0 : i32
    %dma_start3A_25 = tpu.memref_slice %arg5[%dma_start3A_23, %dma_start3A_24] : memref<25x128xi32, #tpu.memory_space<vmem>> -> memref<1x128xi32, #tpu.memory_space<vmem>>
    %dma_start3A_26 = tpu.memref_squeeze %dma_start3A_25 : memref<1x128xi32, #tpu.memory_space<vmem>> -> memref<128xi32, #tpu.memory_space<vmem>>
    %dma_start3A_27 = arith.constant 0 : i32
    %dma_start3A_28 = arith.constant 0 : i32
    %dma_start3A_29 = tpu.memref_slice %arg2[%dma_start3A_27, %dma_start3A_28] : memref<100000x128xf32, #tpu.memory_space<hbm>> -> memref<100000x128xf32, #tpu.memory_space<hbm>>
    tpu.enqueue_indirect_dma source(%dma_start3A_29 : memref<100000x128xf32, #tpu.memory_space<hbm>>) target(%arg9 : memref<128x128xf32, #tpu.memory_space<vmem>>) offsets(%dma_start3A_26 : memref<128xi32, #tpu.memory_space<vmem>>) semaphore(%arg15 : memref<!tpu.dma_semaphore, #tpu.memory_space<semaphore_mem>>)
    %dma_start3A_30 = arith.constant 4 : i32
    %dma_start3A_31 = arith.constant 0 : i32
    %dma_start3A_32 = tpu.memref_slice %arg5[%dma_start3A_30, %dma_start3A_31] : memref<25x128xi32, #tpu.memory_space<vmem>> -> memref<1x128xi32, #tpu.memory_space<vmem>>
    %dma_start3A_33 = tpu.memref_squeeze %dma_start3A_32 : memref<1x128xi32, #tpu.memory_space<vmem>> -> memref<128xi32, #tpu.memory_space<vmem>>
    %dma_start3A_34 = arith.constant 0 : i32
    %dma_start3A_35 = arith.constant 0 : i32
    %dma_start3A_36 = tpu.memref_slice %arg2[%dma_start3A_34, %dma_start3A_35] : memref<100000x128xf32, #tpu.memory_space<hbm>> -> memref<100000x128xf32, #tpu.memory_space<hbm>>
    tpu.enqueue_indirect_dma source(%dma_start3A_36 : memref<100000x128xf32, #tpu.memory_space<hbm>>) target(%arg10 : memref<128x128xf32, #tpu.memory_space<vmem>>) offsets(%dma_start3A_33 : memref<128xi32, #tpu.memory_space<vmem>>) semaphore(%arg16 : memref<!tpu.dma_semaphore, #tpu.memory_space<semaphore_mem>>)
    %dma_wait3A = arith.constant 0 : i32
    %dma_wait3A_37 = arith.constant 0 : i32
    %dma_wait3A_38 = tpu.memref_slice %arg5[%dma_wait3A, %dma_wait3A_37] : memref<25x128xi32, #tpu.memory_space<vmem>> -> memref<1x128xi32, #tpu.memory_space<vmem>>
    %dma_wait3A_39 = tpu.memref_squeeze %dma_wait3A_38 : memref<1x128xi32, #tpu.memory_space<vmem>> -> memref<128xi32, #tpu.memory_space<vmem>>
    %dma_wait3A_40 = arith.constant 0 : i32
    %dma_wait3A_41 = arith.constant 0 : i32
    %dma_wait3A_42 = tpu.memref_slice %arg2[%dma_wait3A_40, %dma_wait3A_41] : memref<100000x128xf32, #tpu.memory_space<hbm>> -> memref<100000x128xf32, #tpu.memory_space<hbm>>
    tpu.wait_indirect_dma semaphore(%arg12 : memref<!tpu.dma_semaphore, #tpu.memory_space<semaphore_mem>>) src(%dma_wait3A_42 : memref<100000x128xf32, #tpu.memory_space<hbm>>) dst(%arg6 : memref<128x128xf32, #tpu.memory_space<vmem>>)
    %add3A_43 = arith.constant 0 : i32
    %add3A_44 = arith.addi %mul3A_2, %add3A_43 : i32
    %multiple_of3A = tpu.assume_multiple %add3A_44, 8 : i32
    %dma_start3A_45 = arith.constant 0 : i32
    %dma_start3A_46 = tpu.memref_slice %arg4[%multiple_of3A, %dma_start3A_45] : memref<102400x128xf32, #tpu.memory_space<hbm>> -> memref<128x128xf32, #tpu.memory_space<hbm>>
    %dma_start3A_47 = arith.constant 0 : i32
    %dma_start3A_48 = tpu.memref_slice %arg4[%multiple_of3A, %dma_start3A_47] : memref<102400x128xf32, #tpu.memory_space<hbm>> -> memref<128x128xf32, #tpu.memory_space<hbm>>
    tpu.enqueue_dma source(%arg6 : memref<128x128xf32, #tpu.memory_space<vmem>>) target(%dma_start3A_48 : memref<128x128xf32, #tpu.memory_space<hbm>>) target_semaphore(%arg18 : memref<!tpu.dma_semaphore, #tpu.memory_space<semaphore_mem>>)
    %dma_start3A_49 = arith.constant 5 : i32
    %dma_start3A_50 = arith.constant 0 : i32
    %dma_start3A_51 = tpu.memref_slice %arg5[%dma_start3A_49, %dma_start3A_50] : memref<25x128xi32, #tpu.memory_space<vmem>> -> memref<1x128xi32, #tpu.memory_space<vmem>>
    %dma_start3A_52 = tpu.memref_squeeze %dma_start3A_51 : memref<1x128xi32, #tpu.memory_space<vmem>> -> memref<128xi32, #tpu.memory_space<vmem>>
    %dma_start3A_53 = arith.constant 0 : i32
    %dma_start3A_54 = arith.constant 0 : i32
    %dma_start3A_55 = tpu.memref_slice %arg2[%dma_start3A_53, %dma_start3A_54] : memref<100000x128xf32, #tpu.memory_space<hbm>> -> memref<100000x128xf32, #tpu.memory_space<hbm>>
    tpu.enqueue_indirect_dma source(%dma_start3A_55 : memref<100000x128xf32, #tpu.memory_space<hbm>>) target(%arg11 : memref<128x128xf32, #tpu.memory_space<vmem>>) offsets(%dma_start3A_52 : memref<128xi32, #tpu.memory_space<vmem>>) semaphore(%arg17 : memref<!tpu.dma_semaphore, #tpu.memory_space<semaphore_mem>>)
    %dma_wait3A_56 = arith.constant 1 : i32
    %dma_wait3A_57 = arith.constant 0 : i32
    %dma_wait3A_58 = tpu.memref_slice %arg5[%dma_wait3A_56, %dma_wait3A_57] : memref<25x128xi32, #tpu.memory_space<vmem>> -> memref<1x128xi32, #tpu.memory_space<vmem>>
    %dma_wait3A_59 = tpu.memref_squeeze %dma_wait3A_58 : memref<1x128xi32, #tpu.memory_space<vmem>> -> memref<128xi32, #tpu.memory_space<vmem>>
    %dma_wait3A_60 = arith.constant 0 : i32
    %dma_wait3A_61 = arith.constant 0 : i32
    %dma_wait3A_62 = tpu.memref_slice %arg2[%dma_wait3A_60, %dma_wait3A_61] : memref<100000x128xf32, #tpu.memory_space<hbm>> -> memref<100000x128xf32, #tpu.memory_space<hbm>>
    tpu.wait_indirect_dma semaphore(%arg13 : memref<!tpu.dma_semaphore, #tpu.memory_space<semaphore_mem>>) src(%dma_wait3A_62 : memref<100000x128xf32, #tpu.memory_space<hbm>>) dst(%arg7 : memref<128x128xf32, #tpu.memory_space<vmem>>)
    %add3A_63 = arith.constant 128 : i32
    %add3A_64 = arith.addi %mul3A_2, %add3A_63 : i32
    %multiple_of3A_65 = tpu.assume_multiple %add3A_64, 8 : i32
    %dma_start3A_66 = arith.constant 0 : i32
    %dma_start3A_67 = tpu.memref_slice %arg4[%multiple_of3A_65, %dma_start3A_66] : memref<102400x128xf32, #tpu.memory_space<hbm>> -> memref<128x128xf32, #tpu.memory_space<hbm>>
    %dma_start3A_68 = arith.constant 0 : i32
    %dma_start3A_69 = tpu.memref_slice %arg4[%multiple_of3A_65, %dma_start3A_68] : memref<102400x128xf32, #tpu.memory_space<hbm>> -> memref<128x128xf32, #tpu.memory_space<hbm>>
    tpu.enqueue_dma source(%arg7 : memref<128x128xf32, #tpu.memory_space<vmem>>) target(%dma_start3A_69 : memref<128x128xf32, #tpu.memory_space<hbm>>) target_semaphore(%arg19 : memref<!tpu.dma_semaphore, #tpu.memory_space<semaphore_mem>>)
    %dma_wait3A_70 = arith.constant 0 : i32
    %dma_wait3A_71 = tpu.memref_slice %arg4[%multiple_of3A, %dma_wait3A_70] : memref<102400x128xf32, #tpu.memory_space<hbm>> -> memref<128x128xf32, #tpu.memory_space<hbm>>
    %dma_wait3A_72 = arith.constant 0 : i32
    %dma_wait3A_73 = tpu.memref_slice %arg4[%multiple_of3A, %dma_wait3A_72] : memref<102400x128xf32, #tpu.memory_space<hbm>> -> memref<128x128xf32, #tpu.memory_space<hbm>>
    tpu.wait_dma2 semaphore(%arg18 : memref<!tpu.dma_semaphore, #tpu.memory_space<semaphore_mem>>) src(%arg6 : memref<128x128xf32, #tpu.memory_space<vmem>>) dst(%dma_wait3A_73 : memref<128x128xf32, #tpu.memory_space<hbm>>)
    %dma_start3A_74 = arith.constant 6 : i32
    %dma_start3A_75 = arith.constant 0 : i32
    %dma_start3A_76 = tpu.memref_slice %arg5[%dma_start3A_74, %dma_start3A_75] : memref<25x128xi32, #tpu.memory_space<vmem>> -> memref<1x128xi32, #tpu.memory_space<vmem>>
    %dma_start3A_77 = tpu.memref_squeeze %dma_start3A_76 : memref<1x128xi32, #tpu.memory_space<vmem>> -> memref<128xi32, #tpu.memory_space<vmem>>
    %dma_start3A_78 = arith.constant 0 : i32
    %dma_start3A_79 = arith.constant 0 : i32
    %dma_start3A_80 = tpu.memref_slice %arg2[%dma_start3A_78, %dma_start3A_79] : memref<100000x128xf32, #tpu.memory_space<hbm>> -> memref<100000x128xf32, #tpu.memory_space<hbm>>
    tpu.enqueue_indirect_dma source(%dma_start3A_80 : memref<100000x128xf32, #tpu.memory_space<hbm>>) target(%arg6 : memref<128x128xf32, #tpu.memory_space<vmem>>) offsets(%dma_start3A_77 : memref<128xi32, #tpu.memory_space<vmem>>) semaphore(%arg12 : memref<!tpu.dma_semaphore, #tpu.memory_space<semaphore_mem>>)
    %dma_wait3A_81 = arith.constant 2 : i32
    %dma_wait3A_82 = arith.constant 0 : i32
    %dma_wait3A_83 = tpu.memref_slice %arg5[%dma_wait3A_81, %dma_wait3A_82] : memref<25x128xi32, #tpu.memory_space<vmem>> -> memref<1x128xi32, #tpu.memory_space<vmem>>
    %dma_wait3A_84 = tpu.memref_squeeze %dma_wait3A_83 : memref<1x128xi32, #tpu.memory_space<vmem>> -> memref<128xi32, #tpu.memory_space<vmem>>
    %dma_wait3A_85 = arith.constant 0 : i32
    %dma_wait3A_86 = arith.constant 0 : i32
    %dma_wait3A_87 = tpu.memref_slice %arg2[%dma_wait3A_85, %dma_wait3A_86] : memref<100000x128xf32, #tpu.memory_space<hbm>> -> memref<100000x128xf32, #tpu.memory_space<hbm>>
    tpu.wait_indirect_dma semaphore(%arg14 : memref<!tpu.dma_semaphore, #tpu.memory_space<semaphore_mem>>) src(%dma_wait3A_87 : memref<100000x128xf32, #tpu.memory_space<hbm>>) dst(%arg8 : memref<128x128xf32, #tpu.memory_space<vmem>>)
    %add3A_88 = arith.constant 256 : i32
    %add3A_89 = arith.addi %mul3A_2, %add3A_88 : i32
    %multiple_of3A_90 = tpu.assume_multiple %add3A_89, 8 : i32
    %dma_start3A_91 = arith.constant 0 : i32
    %dma_start3A_92 = tpu.memref_slice %arg4[%multiple_of3A_90, %dma_start3A_91] : memref<102400x128xf32, #tpu.memory_space<hbm>> -> memref<128x128xf32, #tpu.memory_space<hbm>>
    %dma_start3A_93 = arith.constant 0 : i32
    %dma_start3A_94 = tpu.memref_slice %arg4[%multiple_of3A_90, %dma_start3A_93] : memref<102400x128xf32, #tpu.memory_space<hbm>> -> memref<128x128xf32, #tpu.memory_space<hbm>>
    tpu.enqueue_dma source(%arg8 : memref<128x128xf32, #tpu.memory_space<vmem>>) target(%dma_start3A_94 : memref<128x128xf32, #tpu.memory_space<hbm>>) target_semaphore(%arg20 : memref<!tpu.dma_semaphore, #tpu.memory_space<semaphore_mem>>)
    %dma_wait3A_95 = arith.constant 0 : i32
    %dma_wait3A_96 = tpu.memref_slice %arg4[%multiple_of3A_65, %dma_wait3A_95] : memref<102400x128xf32, #tpu.memory_space<hbm>> -> memref<128x128xf32, #tpu.memory_space<hbm>>
    %dma_wait3A_97 = arith.constant 0 : i32
    %dma_wait3A_98 = tpu.memref_slice %arg4[%multiple_of3A_65, %dma_wait3A_97] : memref<102400x128xf32, #tpu.memory_space<hbm>> -> memref<128x128xf32, #tpu.memory_space<hbm>>
    tpu.wait_dma2 semaphore(%arg19 : memref<!tpu.dma_semaphore, #tpu.memory_space<semaphore_mem>>) src(%arg7 : memref<128x128xf32, #tpu.memory_space<vmem>>) dst(%dma_wait3A_98 : memref<128x128xf32, #tpu.memory_space<hbm>>)
    %dma_start3A_99 = arith.constant 7 : i32
    %dma_start3A_100 = arith.constant 0 : i32
    %dma_start3A_101 = tpu.memref_slice %arg5[%dma_start3A_99, %dma_start3A_100] : memref<25x128xi32, #tpu.memory_space<vmem>> -> memref<1x128xi32, #tpu.memory_space<vmem>>
    %dma_start3A_102 = tpu.memref_squeeze %dma_start3A_101 : memref<1x128xi32, #tpu.memory_space<vmem>> -> memref<128xi32, #tpu.memory_space<vmem>>
    %dma_start3A_103 = arith.constant 0 : i32
    %dma_start3A_104 = arith.constant 0 : i32
    %dma_start3A_105 = tpu.memref_slice %arg2[%dma_start3A_103, %dma_start3A_104] : memref<100000x128xf32, #tpu.memory_space<hbm>> -> memref<100000x128xf32, #tpu.memory_space<hbm>>
    tpu.enqueue_indirect_dma source(%dma_start3A_105 : memref<100000x128xf32, #tpu.memory_space<hbm>>) target(%arg7 : memref<128x128xf32, #tpu.memory_space<vmem>>) offsets(%dma_start3A_102 : memref<128xi32, #tpu.memory_space<vmem>>) semaphore(%arg13 : memref<!tpu.dma_semaphore, #tpu.memory_space<semaphore_mem>>)
    %dma_wait3A_106 = arith.constant 3 : i32
    %dma_wait3A_107 = arith.constant 0 : i32
    %dma_wait3A_108 = tpu.memref_slice %arg5[%dma_wait3A_106, %dma_wait3A_107] : memref<25x128xi32, #tpu.memory_space<vmem>> -> memref<1x128xi32, #tpu.memory_space<vmem>>
    %dma_wait3A_109 = tpu.memref_squeeze %dma_wait3A_108 : memref<1x128xi32, #tpu.memory_space<vmem>> -> memref<128xi32, #tpu.memory_space<vmem>>
    %dma_wait3A_110 = arith.constant 0 : i32
    %dma_wait3A_111 = arith.constant 0 : i32
    %dma_wait3A_112 = tpu.memref_slice %arg2[%dma_wait3A_110, %dma_wait3A_111] : memref<100000x128xf32, #tpu.memory_space<hbm>> -> memref<100000x128xf32, #tpu.memory_space<hbm>>
    tpu.wait_indirect_dma semaphore(%arg15 : memref<!tpu.dma_semaphore, #tpu.memory_space<semaphore_mem>>) src(%dma_wait3A_112 : memref<100000x128xf32, #tpu.memory_space<hbm>>) dst(%arg9 : memref<128x128xf32, #tpu.memory_space<vmem>>)
    %add3A_113 = arith.constant 384 : i32
    %add3A_114 = arith.addi %mul3A_2, %add3A_113 : i32
    %multiple_of3A_115 = tpu.assume_multiple %add3A_114, 8 : i32
    %dma_start3A_116 = arith.constant 0 : i32
    %dma_start3A_117 = tpu.memref_slice %arg4[%multiple_of3A_115, %dma_start3A_116] : memref<102400x128xf32, #tpu.memory_space<hbm>> -> memref<128x128xf32, #tpu.memory_space<hbm>>
    %dma_start3A_118 = arith.constant 0 : i32
    %dma_start3A_119 = tpu.memref_slice %arg4[%multiple_of3A_115, %dma_start3A_118] : memref<102400x128xf32, #tpu.memory_space<hbm>> -> memref<128x128xf32, #tpu.memory_space<hbm>>
    tpu.enqueue_dma source(%arg9 : memref<128x128xf32, #tpu.memory_space<vmem>>) target(%dma_start3A_119 : memref<128x128xf32, #tpu.memory_space<hbm>>) target_semaphore(%arg21 : memref<!tpu.dma_semaphore, #tpu.memory_space<semaphore_mem>>)
    %dma_wait3A_120 = arith.constant 0 : i32
    %dma_wait3A_121 = tpu.memref_slice %arg4[%multiple_of3A_90, %dma_wait3A_120] : memref<102400x128xf32, #tpu.memory_space<hbm>> -> memref<128x128xf32, #tpu.memory_space<hbm>>
    %dma_wait3A_122 = arith.constant 0 : i32
    %dma_wait3A_123 = tpu.memref_slice %arg4[%multiple_of3A_90, %dma_wait3A_122] : memref<102400x128xf32, #tpu.memory_space<hbm>> -> memref<128x128xf32, #tpu.memory_space<hbm>>
    tpu.wait_dma2 semaphore(%arg20 : memref<!tpu.dma_semaphore, #tpu.memory_space<semaphore_mem>>) src(%arg8 : memref<128x128xf32, #tpu.memory_space<vmem>>) dst(%dma_wait3A_123 : memref<128x128xf32, #tpu.memory_space<hbm>>)
    %dma_start3A_124 = arith.constant 8 : i32
    %dma_start3A_125 = arith.constant 0 : i32
    %dma_start3A_126 = tpu.memref_slice %arg5[%dma_start3A_124, %dma_start3A_125] : memref<25x128xi32, #tpu.memory_space<vmem>> -> memref<1x128xi32, #tpu.memory_space<vmem>>
    %dma_start3A_127 = tpu.memref_squeeze %dma_start3A_126 : memref<1x128xi32, #tpu.memory_space<vmem>> -> memref<128xi32, #tpu.memory_space<vmem>>
    %dma_start3A_128 = arith.constant 0 : i32
    %dma_start3A_129 = arith.constant 0 : i32
    %dma_start3A_130 = tpu.memref_slice %arg2[%dma_start3A_128, %dma_start3A_129] : memref<100000x128xf32, #tpu.memory_space<hbm>> -> memref<100000x128xf32, #tpu.memory_space<hbm>>
    tpu.enqueue_indirect_dma source(%dma_start3A_130 : memref<100000x128xf32, #tpu.memory_space<hbm>>) target(%arg8 : memref<128x128xf32, #tpu.memory_space<vmem>>) offsets(%dma_start3A_127 : memref<128xi32, #tpu.memory_space<vmem>>) semaphore(%arg14 : memref<!tpu.dma_semaphore, #tpu.memory_space<semaphore_mem>>)
    %dma_wait3A_131 = arith.constant 4 : i32
    %dma_wait3A_132 = arith.constant 0 : i32
    %dma_wait3A_133 = tpu.memref_slice %arg5[%dma_wait3A_131, %dma_wait3A_132] : memref<25x128xi32, #tpu.memory_space<vmem>> -> memref<1x128xi32, #tpu.memory_space<vmem>>
    %dma_wait3A_134 = tpu.memref_squeeze %dma_wait3A_133 : memref<1x128xi32, #tpu.memory_space<vmem>> -> memref<128xi32, #tpu.memory_space<vmem>>
    %dma_wait3A_135 = arith.constant 0 : i32
    %dma_wait3A_136 = arith.constant 0 : i32
    %dma_wait3A_137 = tpu.memref_slice %arg2[%dma_wait3A_135, %dma_wait3A_136] : memref<100000x128xf32, #tpu.memory_space<hbm>> -> memref<100000x128xf32, #tpu.memory_space<hbm>>
    tpu.wait_indirect_dma semaphore(%arg16 : memref<!tpu.dma_semaphore, #tpu.memory_space<semaphore_mem>>) src(%dma_wait3A_137 : memref<100000x128xf32, #tpu.memory_space<hbm>>) dst(%arg10 : memref<128x128xf32, #tpu.memory_space<vmem>>)
    %add3A_138 = arith.constant 512 : i32
    %add3A_139 = arith.addi %mul3A_2, %add3A_138 : i32
    %multiple_of3A_140 = tpu.assume_multiple %add3A_139, 8 : i32
    %dma_start3A_141 = arith.constant 0 : i32
    %dma_start3A_142 = tpu.memref_slice %arg4[%multiple_of3A_140, %dma_start3A_141] : memref<102400x128xf32, #tpu.memory_space<hbm>> -> memref<128x128xf32, #tpu.memory_space<hbm>>
    %dma_start3A_143 = arith.constant 0 : i32
    %dma_start3A_144 = tpu.memref_slice %arg4[%multiple_of3A_140, %dma_start3A_143] : memref<102400x128xf32, #tpu.memory_space<hbm>> -> memref<128x128xf32, #tpu.memory_space<hbm>>
    tpu.enqueue_dma source(%arg10 : memref<128x128xf32, #tpu.memory_space<vmem>>) target(%dma_start3A_144 : memref<128x128xf32, #tpu.memory_space<hbm>>) target_semaphore(%arg22 : memref<!tpu.dma_semaphore, #tpu.memory_space<semaphore_mem>>)
    %dma_wait3A_145 = arith.constant 0 : i32
    %dma_wait3A_146 = tpu.memref_slice %arg4[%multiple_of3A_115, %dma_wait3A_145] : memref<102400x128xf32, #tpu.memory_space<hbm>> -> memref<128x128xf32, #tpu.memory_space<hbm>>
    %dma_wait3A_147 = arith.constant 0 : i32
    %dma_wait3A_148 = tpu.memref_slice %arg4[%multiple_of3A_115, %dma_wait3A_147] : memref<102400x128xf32, #tpu.memory_space<hbm>> -> memref<128x128xf32, #tpu.memory_space<hbm>>
    tpu.wait_dma2 semaphore(%arg21 : memref<!tpu.dma_semaphore, #tpu.memory_space<semaphore_mem>>) src(%arg9 : memref<128x128xf32, #tpu.memory_space<vmem>>) dst(%dma_wait3A_148 : memref<128x128xf32, #tpu.memory_space<hbm>>)
    %dma_start3A_149 = arith.constant 9 : i32
    %dma_start3A_150 = arith.constant 0 : i32
    %dma_start3A_151 = tpu.memref_slice %arg5[%dma_start3A_149, %dma_start3A_150] : memref<25x128xi32, #tpu.memory_space<vmem>> -> memref<1x128xi32, #tpu.memory_space<vmem>>
    %dma_start3A_152 = tpu.memref_squeeze %dma_start3A_151 : memref<1x128xi32, #tpu.memory_space<vmem>> -> memref<128xi32, #tpu.memory_space<vmem>>
    %dma_start3A_153 = arith.constant 0 : i32
    %dma_start3A_154 = arith.constant 0 : i32
    %dma_start3A_155 = tpu.memref_slice %arg2[%dma_start3A_153, %dma_start3A_154] : memref<100000x128xf32, #tpu.memory_space<hbm>> -> memref<100000x128xf32, #tpu.memory_space<hbm>>
    tpu.enqueue_indirect_dma source(%dma_start3A_155 : memref<100000x128xf32, #tpu.memory_space<hbm>>) target(%arg9 : memref<128x128xf32, #tpu.memory_space<vmem>>) offsets(%dma_start3A_152 : memref<128xi32, #tpu.memory_space<vmem>>) semaphore(%arg15 : memref<!tpu.dma_semaphore, #tpu.memory_space<semaphore_mem>>)
    %dma_wait3A_156 = arith.constant 5 : i32
    %dma_wait3A_157 = arith.constant 0 : i32
    %dma_wait3A_158 = tpu.memref_slice %arg5[%dma_wait3A_156, %dma_wait3A_157] : memref<25x128xi32, #tpu.memory_space<vmem>> -> memref<1x128xi32, #tpu.memory_space<vmem>>
    %dma_wait3A_159 = tpu.memref_squeeze %dma_wait3A_158 : memref<1x128xi32, #tpu.memory_space<vmem>> -> memref<128xi32, #tpu.memory_space<vmem>>
    %dma_wait3A_160 = arith.constant 0 : i32
    %dma_wait3A_161 = arith.constant 0 : i32
    %dma_wait3A_162 = tpu.memref_slice %arg2[%dma_wait3A_160, %dma_wait3A_161] : memref<100000x128xf32, #tpu.memory_space<hbm>> -> memref<100000x128xf32, #tpu.memory_space<hbm>>
    tpu.wait_indirect_dma semaphore(%arg17 : memref<!tpu.dma_semaphore, #tpu.memory_space<semaphore_mem>>) src(%dma_wait3A_162 : memref<100000x128xf32, #tpu.memory_space<hbm>>) dst(%arg11 : memref<128x128xf32, #tpu.memory_space<vmem>>)
    %add3A_163 = arith.constant 640 : i32
    %add3A_164 = arith.addi %mul3A_2, %add3A_163 : i32
    %multiple_of3A_165 = tpu.assume_multiple %add3A_164, 8 : i32
    %dma_start3A_166 = arith.constant 0 : i32
    %dma_start3A_167 = tpu.memref_slice %arg4[%multiple_of3A_165, %dma_start3A_166] : memref<102400x128xf32, #tpu.memory_space<hbm>> -> memref<128x128xf32, #tpu.memory_space<hbm>>
    %dma_start3A_168 = arith.constant 0 : i32
    %dma_start3A_169 = tpu.memref_slice %arg4[%multiple_of3A_165, %dma_start3A_168] : memref<102400x128xf32, #tpu.memory_space<hbm>> -> memref<128x128xf32, #tpu.memory_space<hbm>>
    tpu.enqueue_dma source(%arg11 : memref<128x128xf32, #tpu.memory_space<vmem>>) target(%dma_start3A_169 : memref<128x128xf32, #tpu.memory_space<hbm>>) target_semaphore(%arg23 : memref<!tpu.dma_semaphore, #tpu.memory_space<semaphore_mem>>)
    %dma_wait3A_170 = arith.constant 0 : i32
    %dma_wait3A_171 = tpu.memref_slice %arg4[%multiple_of3A_140, %dma_wait3A_170] : memref<102400x128xf32, #tpu.memory_space<hbm>> -> memref<128x128xf32, #tpu.memory_space<hbm>>
    %dma_wait3A_172 = arith.constant 0 : i32
    %dma_wait3A_173 = tpu.memref_slice %arg4[%multiple_of3A_140, %dma_wait3A_172] : memref<102400x128xf32, #tpu.memory_space<hbm>> -> memref<128x128xf32, #tpu.memory_space<hbm>>
    tpu.wait_dma2 semaphore(%arg22 : memref<!tpu.dma_semaphore, #tpu.memory_space<semaphore_mem>>) src(%arg10 : memref<128x128xf32, #tpu.memory_space<vmem>>) dst(%dma_wait3A_173 : memref<128x128xf32, #tpu.memory_space<hbm>>)
    %dma_start3A_174 = arith.constant 10 : i32
    %dma_start3A_175 = arith.constant 0 : i32
    %dma_start3A_176 = tpu.memref_slice %arg5[%dma_start3A_174, %dma_start3A_175] : memref<25x128xi32, #tpu.memory_space<vmem>> -> memref<1x128xi32, #tpu.memory_space<vmem>>
    %dma_start3A_177 = tpu.memref_squeeze %dma_start3A_176 : memref<1x128xi32, #tpu.memory_space<vmem>> -> memref<128xi32, #tpu.memory_space<vmem>>
    %dma_start3A_178 = arith.constant 0 : i32
    %dma_start3A_179 = arith.constant 0 : i32
    %dma_start3A_180 = tpu.memref_slice %arg2[%dma_start3A_178, %dma_start3A_179] : memref<100000x128xf32, #tpu.memory_space<hbm>> -> memref<100000x128xf32, #tpu.memory_space<hbm>>
    tpu.enqueue_indirect_dma source(%dma_start3A_180 : memref<100000x128xf32, #tpu.memory_space<hbm>>) target(%arg10 : memref<128x128xf32, #tpu.memory_space<vmem>>) offsets(%dma_start3A_177 : memref<128xi32, #tpu.memory_space<vmem>>) semaphore(%arg16 : memref<!tpu.dma_semaphore, #tpu.memory_space<semaphore_mem>>)
    %dma_wait3A_181 = arith.constant 6 : i32
    %dma_wait3A_182 = arith.constant 0 : i32
    %dma_wait3A_183 = tpu.memref_slice %arg5[%dma_wait3A_181, %dma_wait3A_182] : memref<25x128xi32, #tpu.memory_space<vmem>> -> memref<1x128xi32, #tpu.memory_space<vmem>>
    %dma_wait3A_184 = tpu.memref_squeeze %dma_wait3A_183 : memref<1x128xi32, #tpu.memory_space<vmem>> -> memref<128xi32, #tpu.memory_space<vmem>>
    %dma_wait3A_185 = arith.constant 0 : i32
    %dma_wait3A_186 = arith.constant 0 : i32
    %dma_wait3A_187 = tpu.memref_slice %arg2[%dma_wait3A_185, %dma_wait3A_186] : memref<100000x128xf32, #tpu.memory_space<hbm>> -> memref<100000x128xf32, #tpu.memory_space<hbm>>
    tpu.wait_indirect_dma semaphore(%arg12 : memref<!tpu.dma_semaphore, #tpu.memory_space<semaphore_mem>>) src(%dma_wait3A_187 : memref<100000x128xf32, #tpu.memory_space<hbm>>) dst(%arg6 : memref<128x128xf32, #tpu.memory_space<vmem>>)
    %add3A_188 = arith.constant 768 : i32
    %add3A_189 = arith.addi %mul3A_2, %add3A_188 : i32
    %multiple_of3A_190 = tpu.assume_multiple %add3A_189, 8 : i32
    %dma_start3A_191 = arith.constant 0 : i32
    %dma_start3A_192 = tpu.memref_slice %arg4[%multiple_of3A_190, %dma_start3A_191] : memref<102400x128xf32, #tpu.memory_space<hbm>> -> memref<128x128xf32, #tpu.memory_space<hbm>>
    %dma_start3A_193 = arith.constant 0 : i32
    %dma_start3A_194 = tpu.memref_slice %arg4[%multiple_of3A_190, %dma_start3A_193] : memref<102400x128xf32, #tpu.memory_space<hbm>> -> memref<128x128xf32, #tpu.memory_space<hbm>>
    tpu.enqueue_dma source(%arg6 : memref<128x128xf32, #tpu.memory_space<vmem>>) target(%dma_start3A_194 : memref<128x128xf32, #tpu.memory_space<hbm>>) target_semaphore(%arg18 : memref<!tpu.dma_semaphore, #tpu.memory_space<semaphore_mem>>)
    %dma_wait3A_195 = arith.constant 0 : i32
    %dma_wait3A_196 = tpu.memref_slice %arg4[%multiple_of3A_165, %dma_wait3A_195] : memref<102400x128xf32, #tpu.memory_space<hbm>> -> memref<128x128xf32, #tpu.memory_space<hbm>>
    %dma_wait3A_197 = arith.constant 0 : i32
    %dma_wait3A_198 = tpu.memref_slice %arg4[%multiple_of3A_165, %dma_wait3A_197] : memref<102400x128xf32, #tpu.memory_space<hbm>> -> memref<128x128xf32, #tpu.memory_space<hbm>>
    tpu.wait_dma2 semaphore(%arg23 : memref<!tpu.dma_semaphore, #tpu.memory_space<semaphore_mem>>) src(%arg11 : memref<128x128xf32, #tpu.memory_space<vmem>>) dst(%dma_wait3A_198 : memref<128x128xf32, #tpu.memory_space<hbm>>)
    %dma_start3A_199 = arith.constant 11 : i32
    %dma_start3A_200 = arith.constant 0 : i32
    %dma_start3A_201 = tpu.memref_slice %arg5[%dma_start3A_199, %dma_start3A_200] : memref<25x128xi32, #tpu.memory_space<vmem>> -> memref<1x128xi32, #tpu.memory_space<vmem>>
    %dma_start3A_202 = tpu.memref_squeeze %dma_start3A_201 : memref<1x128xi32, #tpu.memory_space<vmem>> -> memref<128xi32, #tpu.memory_space<vmem>>
    %dma_start3A_203 = arith.constant 0 : i32
    %dma_start3A_204 = arith.constant 0 : i32
    %dma_start3A_205 = tpu.memref_slice %arg2[%dma_start3A_203, %dma_start3A_204] : memref<100000x128xf32, #tpu.memory_space<hbm>> -> memref<100000x128xf32, #tpu.memory_space<hbm>>
    tpu.enqueue_indirect_dma source(%dma_start3A_205 : memref<100000x128xf32, #tpu.memory_space<hbm>>) target(%arg11 : memref<128x128xf32, #tpu.memory_space<vmem>>) offsets(%dma_start3A_202 : memref<128xi32, #tpu.memory_space<vmem>>) semaphore(%arg17 : memref<!tpu.dma_semaphore, #tpu.memory_space<semaphore_mem>>)
    %dma_wait3A_206 = arith.constant 7 : i32
    %dma_wait3A_207 = arith.constant 0 : i32
    %dma_wait3A_208 = tpu.memref_slice %arg5[%dma_wait3A_206, %dma_wait3A_207] : memref<25x128xi32, #tpu.memory_space<vmem>> -> memref<1x128xi32, #tpu.memory_space<vmem>>
    %dma_wait3A_209 = tpu.memref_squeeze %dma_wait3A_208 : memref<1x128xi32, #tpu.memory_space<vmem>> -> memref<128xi32, #tpu.memory_space<vmem>>
    %dma_wait3A_210 = arith.constant 0 : i32
    %dma_wait3A_211 = arith.constant 0 : i32
    %dma_wait3A_212 = tpu.memref_slice %arg2[%dma_wait3A_210, %dma_wait3A_211] : memref<100000x128xf32, #tpu.memory_space<hbm>> -> memref<100000x128xf32, #tpu.memory_space<hbm>>
    tpu.wait_indirect_dma semaphore(%arg13 : memref<!tpu.dma_semaphore, #tpu.memory_space<semaphore_mem>>) src(%dma_wait3A_212 : memref<100000x128xf32, #tpu.memory_space<hbm>>) dst(%arg7 : memref<128x128xf32, #tpu.memory_space<vmem>>)
    %add3A_213 = arith.constant 896 : i32
    %add3A_214 = arith.addi %mul3A_2, %add3A_213 : i32
    %multiple_of3A_215 = tpu.assume_multiple %add3A_214, 8 : i32
    %dma_start3A_216 = arith.constant 0 : i32
    %dma_start3A_217 = tpu.memref_slice %arg4[%multiple_of3A_215, %dma_start3A_216] : memref<102400x128xf32, #tpu.memory_space<hbm>> -> memref<128x128xf32, #tpu.memory_space<hbm>>
    %dma_start3A_218 = arith.constant 0 : i32
    %dma_start3A_219 = tpu.memref_slice %arg4[%multiple_of3A_215, %dma_start3A_218] : memref<102400x128xf32, #tpu.memory_space<hbm>> -> memref<128x128xf32, #tpu.memory_space<hbm>>
    tpu.enqueue_dma source(%arg7 : memref<128x128xf32, #tpu.memory_space<vmem>>) target(%dma_start3A_219 : memref<128x128xf32, #tpu.memory_space<hbm>>) target_semaphore(%arg19 : memref<!tpu.dma_semaphore, #tpu.memory_space<semaphore_mem>>)
    %dma_wait3A_220 = arith.constant 0 : i32
    %dma_wait3A_221 = tpu.memref_slice %arg4[%multiple_of3A_190, %dma_wait3A_220] : memref<102400x128xf32, #tpu.memory_space<hbm>> -> memref<128x128xf32, #tpu.memory_space<hbm>>
    %dma_wait3A_222 = arith.constant 0 : i32
    %dma_wait3A_223 = tpu.memref_slice %arg4[%multiple_of3A_190, %dma_wait3A_222] : memref<102400x128xf32, #tpu.memory_space<hbm>> -> memref<128x128xf32, #tpu.memory_space<hbm>>
    tpu.wait_dma2 semaphore(%arg18 : memref<!tpu.dma_semaphore, #tpu.memory_space<semaphore_mem>>) src(%arg6 : memref<128x128xf32, #tpu.memory_space<vmem>>) dst(%dma_wait3A_223 : memref<128x128xf32, #tpu.memory_space<hbm>>)
    %dma_start3A_224 = arith.constant 12 : i32
    %dma_start3A_225 = arith.constant 0 : i32
    %dma_start3A_226 = tpu.memref_slice %arg5[%dma_start3A_224, %dma_start3A_225] : memref<25x128xi32, #tpu.memory_space<vmem>> -> memref<1x128xi32, #tpu.memory_space<vmem>>
    %dma_start3A_227 = tpu.memref_squeeze %dma_start3A_226 : memref<1x128xi32, #tpu.memory_space<vmem>> -> memref<128xi32, #tpu.memory_space<vmem>>
    %dma_start3A_228 = arith.constant 0 : i32
    %dma_start3A_229 = arith.constant 0 : i32
    %dma_start3A_230 = tpu.memref_slice %arg2[%dma_start3A_228, %dma_start3A_229] : memref<100000x128xf32, #tpu.memory_space<hbm>> -> memref<100000x128xf32, #tpu.memory_space<hbm>>
    tpu.enqueue_indirect_dma source(%dma_start3A_230 : memref<100000x128xf32, #tpu.memory_space<hbm>>) target(%arg6 : memref<128x128xf32, #tpu.memory_space<vmem>>) offsets(%dma_start3A_227 : memref<128xi32, #tpu.memory_space<vmem>>) semaphore(%arg12 : memref<!tpu.dma_semaphore, #tpu.memory_space<semaphore_mem>>)
    %dma_wait3A_231 = arith.constant 8 : i32
    %dma_wait3A_232 = arith.constant 0 : i32
    %dma_wait3A_233 = tpu.memref_slice %arg5[%dma_wait3A_231, %dma_wait3A_232] : memref<25x128xi32, #tpu.memory_space<vmem>> -> memref<1x128xi32, #tpu.memory_space<vmem>>
    %dma_wait3A_234 = tpu.memref_squeeze %dma_wait3A_233 : memref<1x128xi32, #tpu.memory_space<vmem>> -> memref<128xi32, #tpu.memory_space<vmem>>
    %dma_wait3A_235 = arith.constant 0 : i32
    %dma_wait3A_236 = arith.constant 0 : i32
    %dma_wait3A_237 = tpu.memref_slice %arg2[%dma_wait3A_235, %dma_wait3A_236] : memref<100000x128xf32, #tpu.memory_space<hbm>> -> memref<100000x128xf32, #tpu.memory_space<hbm>>
    tpu.wait_indirect_dma semaphore(%arg14 : memref<!tpu.dma_semaphore, #tpu.memory_space<semaphore_mem>>) src(%dma_wait3A_237 : memref<100000x128xf32, #tpu.memory_space<hbm>>) dst(%arg8 : memref<128x128xf32, #tpu.memory_space<vmem>>)
    %add3A_238 = arith.constant 1024 : i32
    %add3A_239 = arith.addi %mul3A_2, %add3A_238 : i32
    %multiple_of3A_240 = tpu.assume_multiple %add3A_239, 8 : i32
    %dma_start3A_241 = arith.constant 0 : i32
    %dma_start3A_242 = tpu.memref_slice %arg4[%multiple_of3A_240, %dma_start3A_241] : memref<102400x128xf32, #tpu.memory_space<hbm>> -> memref<128x128xf32, #tpu.memory_space<hbm>>
    %dma_start3A_243 = arith.constant 0 : i32
    %dma_start3A_244 = tpu.memref_slice %arg4[%multiple_of3A_240, %dma_start3A_243] : memref<102400x128xf32, #tpu.memory_space<hbm>> -> memref<128x128xf32, #tpu.memory_space<hbm>>
    tpu.enqueue_dma source(%arg8 : memref<128x128xf32, #tpu.memory_space<vmem>>) target(%dma_start3A_244 : memref<128x128xf32, #tpu.memory_space<hbm>>) target_semaphore(%arg20 : memref<!tpu.dma_semaphore, #tpu.memory_space<semaphore_mem>>)
    %dma_wait3A_245 = arith.constant 0 : i32
    %dma_wait3A_246 = tpu.memref_slice %arg4[%multiple_of3A_215, %dma_wait3A_245] : memref<102400x128xf32, #tpu.memory_space<hbm>> -> memref<128x128xf32, #tpu.memory_space<hbm>>
    %dma_wait3A_247 = arith.constant 0 : i32
    %dma_wait3A_248 = tpu.memref_slice %arg4[%multiple_of3A_215, %dma_wait3A_247] : memref<102400x128xf32, #tpu.memory_space<hbm>> -> memref<128x128xf32, #tpu.memory_space<hbm>>
    tpu.wait_dma2 semaphore(%arg19 : memref<!tpu.dma_semaphore, #tpu.memory_space<semaphore_mem>>) src(%arg7 : memref<128x128xf32, #tpu.memory_space<vmem>>) dst(%dma_wait3A_248 : memref<128x128xf32, #tpu.memory_space<hbm>>)
    %dma_start3A_249 = arith.constant 13 : i32
    %dma_start3A_250 = arith.constant 0 : i32
    %dma_start3A_251 = tpu.memref_slice %arg5[%dma_start3A_249, %dma_start3A_250] : memref<25x128xi32, #tpu.memory_space<vmem>> -> memref<1x128xi32, #tpu.memory_space<vmem>>
    %dma_start3A_252 = tpu.memref_squeeze %dma_start3A_251 : memref<1x128xi32, #tpu.memory_space<vmem>> -> memref<128xi32, #tpu.memory_space<vmem>>
    %dma_start3A_253 = arith.constant 0 : i32
    %dma_start3A_254 = arith.constant 0 : i32
    %dma_start3A_255 = tpu.memref_slice %arg2[%dma_start3A_253, %dma_start3A_254] : memref<100000x128xf32, #tpu.memory_space<hbm>> -> memref<100000x128xf32, #tpu.memory_space<hbm>>
    tpu.enqueue_indirect_dma source(%dma_start3A_255 : memref<100000x128xf32, #tpu.memory_space<hbm>>) target(%arg7 : memref<128x128xf32, #tpu.memory_space<vmem>>) offsets(%dma_start3A_252 : memref<128xi32, #tpu.memory_space<vmem>>) semaphore(%arg13 : memref<!tpu.dma_semaphore, #tpu.memory_space<semaphore_mem>>)
    %dma_wait3A_256 = arith.constant 9 : i32
    %dma_wait3A_257 = arith.constant 0 : i32
    %dma_wait3A_258 = tpu.memref_slice %arg5[%dma_wait3A_256, %dma_wait3A_257] : memref<25x128xi32, #tpu.memory_space<vmem>> -> memref<1x128xi32, #tpu.memory_space<vmem>>
    %dma_wait3A_259 = tpu.memref_squeeze %dma_wait3A_258 : memref<1x128xi32, #tpu.memory_space<vmem>> -> memref<128xi32, #tpu.memory_space<vmem>>
    %dma_wait3A_260 = arith.constant 0 : i32
    %dma_wait3A_261 = arith.constant 0 : i32
    %dma_wait3A_262 = tpu.memref_slice %arg2[%dma_wait3A_260, %dma_wait3A_261] : memref<100000x128xf32, #tpu.memory_space<hbm>> -> memref<100000x128xf32, #tpu.memory_space<hbm>>
    tpu.wait_indirect_dma semaphore(%arg15 : memref<!tpu.dma_semaphore, #tpu.memory_space<semaphore_mem>>) src(%dma_wait3A_262 : memref<100000x128xf32, #tpu.memory_space<hbm>>) dst(%arg9 : memref<128x128xf32, #tpu.memory_space<vmem>>)
    %add3A_263 = arith.constant 1152 : i32
    %add3A_264 = arith.addi %mul3A_2, %add3A_263 : i32
    %multiple_of3A_265 = tpu.assume_multiple %add3A_264, 8 : i32
    %dma_start3A_266 = arith.constant 0 : i32
    %dma_start3A_267 = tpu.memref_slice %arg4[%multiple_of3A_265, %dma_start3A_266] : memref<102400x128xf32, #tpu.memory_space<hbm>> -> memref<128x128xf32, #tpu.memory_space<hbm>>
    %dma_start3A_268 = arith.constant 0 : i32
    %dma_start3A_269 = tpu.memref_slice %arg4[%multiple_of3A_265, %dma_start3A_268] : memref<102400x128xf32, #tpu.memory_space<hbm>> -> memref<128x128xf32, #tpu.memory_space<hbm>>
    tpu.enqueue_dma source(%arg9 : memref<128x128xf32, #tpu.memory_space<vmem>>) target(%dma_start3A_269 : memref<128x128xf32, #tpu.memory_space<hbm>>) target_semaphore(%arg21 : memref<!tpu.dma_semaphore, #tpu.memory_space<semaphore_mem>>)
    %dma_wait3A_270 = arith.constant 0 : i32
    %dma_wait3A_271 = tpu.memref_slice %arg4[%multiple_of3A_240, %dma_wait3A_270] : memref<102400x128xf32, #tpu.memory_space<hbm>> -> memref<128x128xf32, #tpu.memory_space<hbm>>
    %dma_wait3A_272 = arith.constant 0 : i32
    %dma_wait3A_273 = tpu.memref_slice %arg4[%multiple_of3A_240, %dma_wait3A_272] : memref<102400x128xf32, #tpu.memory_space<hbm>> -> memref<128x128xf32, #tpu.memory_space<hbm>>
    tpu.wait_dma2 semaphore(%arg20 : memref<!tpu.dma_semaphore, #tpu.memory_space<semaphore_mem>>) src(%arg8 : memref<128x128xf32, #tpu.memory_space<vmem>>) dst(%dma_wait3A_273 : memref<128x128xf32, #tpu.memory_space<hbm>>)
    %dma_start3A_274 = arith.constant 14 : i32
    %dma_start3A_275 = arith.constant 0 : i32
    %dma_start3A_276 = tpu.memref_slice %arg5[%dma_start3A_274, %dma_start3A_275] : memref<25x128xi32, #tpu.memory_space<vmem>> -> memref<1x128xi32, #tpu.memory_space<vmem>>
    %dma_start3A_277 = tpu.memref_squeeze %dma_start3A_276 : memref<1x128xi32, #tpu.memory_space<vmem>> -> memref<128xi32, #tpu.memory_space<vmem>>
    %dma_start3A_278 = arith.constant 0 : i32
    %dma_start3A_279 = arith.constant 0 : i32
    %dma_start3A_280 = tpu.memref_slice %arg2[%dma_start3A_278, %dma_start3A_279] : memref<100000x128xf32, #tpu.memory_space<hbm>> -> memref<100000x128xf32, #tpu.memory_space<hbm>>
    tpu.enqueue_indirect_dma source(%dma_start3A_280 : memref<100000x128xf32, #tpu.memory_space<hbm>>) target(%arg8 : memref<128x128xf32, #tpu.memory_space<vmem>>) offsets(%dma_start3A_277 : memref<128xi32, #tpu.memory_space<vmem>>) semaphore(%arg14 : memref<!tpu.dma_semaphore, #tpu.memory_space<semaphore_mem>>)
    %dma_wait3A_281 = arith.constant 10 : i32
    %dma_wait3A_282 = arith.constant 0 : i32
    %dma_wait3A_283 = tpu.memref_slice %arg5[%dma_wait3A_281, %dma_wait3A_282] : memref<25x128xi32, #tpu.memory_space<vmem>> -> memref<1x128xi32, #tpu.memory_space<vmem>>
    %dma_wait3A_284 = tpu.memref_squeeze %dma_wait3A_283 : memref<1x128xi32, #tpu.memory_space<vmem>> -> memref<128xi32, #tpu.memory_space<vmem>>
    %dma_wait3A_285 = arith.constant 0 : i32
    %dma_wait3A_286 = arith.constant 0 : i32
    %dma_wait3A_287 = tpu.memref_slice %arg2[%dma_wait3A_285, %dma_wait3A_286] : memref<100000x128xf32, #tpu.memory_space<hbm>> -> memref<100000x128xf32, #tpu.memory_space<hbm>>
    tpu.wait_indirect_dma semaphore(%arg16 : memref<!tpu.dma_semaphore, #tpu.memory_space<semaphore_mem>>) src(%dma_wait3A_287 : memref<100000x128xf32, #tpu.memory_space<hbm>>) dst(%arg10 : memref<128x128xf32, #tpu.memory_space<vmem>>)
    %add3A_288 = arith.constant 1280 : i32
    %add3A_289 = arith.addi %mul3A_2, %add3A_288 : i32
    %multiple_of3A_290 = tpu.assume_multiple %add3A_289, 8 : i32
    %dma_start3A_291 = arith.constant 0 : i32
    %dma_start3A_292 = tpu.memref_slice %arg4[%multiple_of3A_290, %dma_start3A_291] : memref<102400x128xf32, #tpu.memory_space<hbm>> -> memref<128x128xf32, #tpu.memory_space<hbm>>
    %dma_start3A_293 = arith.constant 0 : i32
    %dma_start3A_294 = tpu.memref_slice %arg4[%multiple_of3A_290, %dma_start3A_293] : memref<102400x128xf32, #tpu.memory_space<hbm>> -> memref<128x128xf32, #tpu.memory_space<hbm>>
    tpu.enqueue_dma source(%arg10 : memref<128x128xf32, #tpu.memory_space<vmem>>) target(%dma_start3A_294 : memref<128x128xf32, #tpu.memory_space<hbm>>) target_semaphore(%arg22 : memref<!tpu.dma_semaphore, #tpu.memory_space<semaphore_mem>>)
    %dma_wait3A_295 = arith.constant 0 : i32
    %dma_wait3A_296 = tpu.memref_slice %arg4[%multiple_of3A_265, %dma_wait3A_295] : memref<102400x128xf32, #tpu.memory_space<hbm>> -> memref<128x128xf32, #tpu.memory_space<hbm>>
    %dma_wait3A_297 = arith.constant 0 : i32
    %dma_wait3A_298 = tpu.memref_slice %arg4[%multiple_of3A_265, %dma_wait3A_297] : memref<102400x128xf32, #tpu.memory_space<hbm>> -> memref<128x128xf32, #tpu.memory_space<hbm>>
    tpu.wait_dma2 semaphore(%arg21 : memref<!tpu.dma_semaphore, #tpu.memory_space<semaphore_mem>>) src(%arg9 : memref<128x128xf32, #tpu.memory_space<vmem>>) dst(%dma_wait3A_298 : memref<128x128xf32, #tpu.memory_space<hbm>>)
    %dma_start3A_299 = arith.constant 15 : i32
    %dma_start3A_300 = arith.constant 0 : i32
    %dma_start3A_301 = tpu.memref_slice %arg5[%dma_start3A_299, %dma_start3A_300] : memref<25x128xi32, #tpu.memory_space<vmem>> -> memref<1x128xi32, #tpu.memory_space<vmem>>
    %dma_start3A_302 = tpu.memref_squeeze %dma_start3A_301 : memref<1x128xi32, #tpu.memory_space<vmem>> -> memref<128xi32, #tpu.memory_space<vmem>>
    %dma_start3A_303 = arith.constant 0 : i32
    %dma_start3A_304 = arith.constant 0 : i32
    %dma_start3A_305 = tpu.memref_slice %arg2[%dma_start3A_303, %dma_start3A_304] : memref<100000x128xf32, #tpu.memory_space<hbm>> -> memref<100000x128xf32, #tpu.memory_space<hbm>>
    tpu.enqueue_indirect_dma source(%dma_start3A_305 : memref<100000x128xf32, #tpu.memory_space<hbm>>) target(%arg9 : memref<128x128xf32, #tpu.memory_space<vmem>>) offsets(%dma_start3A_302 : memref<128xi32, #tpu.memory_space<vmem>>) semaphore(%arg15 : memref<!tpu.dma_semaphore, #tpu.memory_space<semaphore_mem>>)
    %dma_wait3A_306 = arith.constant 11 : i32
    %dma_wait3A_307 = arith.constant 0 : i32
    %dma_wait3A_308 = tpu.memref_slice %arg5[%dma_wait3A_306, %dma_wait3A_307] : memref<25x128xi32, #tpu.memory_space<vmem>> -> memref<1x128xi32, #tpu.memory_space<vmem>>
    %dma_wait3A_309 = tpu.memref_squeeze %dma_wait3A_308 : memref<1x128xi32, #tpu.memory_space<vmem>> -> memref<128xi32, #tpu.memory_space<vmem>>
    %dma_wait3A_310 = arith.constant 0 : i32
    %dma_wait3A_311 = arith.constant 0 : i32
    %dma_wait3A_312 = tpu.memref_slice %arg2[%dma_wait3A_310, %dma_wait3A_311] : memref<100000x128xf32, #tpu.memory_space<hbm>> -> memref<100000x128xf32, #tpu.memory_space<hbm>>
    tpu.wait_indirect_dma semaphore(%arg17 : memref<!tpu.dma_semaphore, #tpu.memory_space<semaphore_mem>>) src(%dma_wait3A_312 : memref<100000x128xf32, #tpu.memory_space<hbm>>) dst(%arg11 : memref<128x128xf32, #tpu.memory_space<vmem>>)
    %add3A_313 = arith.constant 1408 : i32
    %add3A_314 = arith.addi %mul3A_2, %add3A_313 : i32
    %multiple_of3A_315 = tpu.assume_multiple %add3A_314, 8 : i32
    %dma_start3A_316 = arith.constant 0 : i32
    %dma_start3A_317 = tpu.memref_slice %arg4[%multiple_of3A_315, %dma_start3A_316] : memref<102400x128xf32, #tpu.memory_space<hbm>> -> memref<128x128xf32, #tpu.memory_space<hbm>>
    %dma_start3A_318 = arith.constant 0 : i32
    %dma_start3A_319 = tpu.memref_slice %arg4[%multiple_of3A_315, %dma_start3A_318] : memref<102400x128xf32, #tpu.memory_space<hbm>> -> memref<128x128xf32, #tpu.memory_space<hbm>>
    tpu.enqueue_dma source(%arg11 : memref<128x128xf32, #tpu.memory_space<vmem>>) target(%dma_start3A_319 : memref<128x128xf32, #tpu.memory_space<hbm>>) target_semaphore(%arg23 : memref<!tpu.dma_semaphore, #tpu.memory_space<semaphore_mem>>)
    %dma_wait3A_320 = arith.constant 0 : i32
    %dma_wait3A_321 = tpu.memref_slice %arg4[%multiple_of3A_290, %dma_wait3A_320] : memref<102400x128xf32, #tpu.memory_space<hbm>> -> memref<128x128xf32, #tpu.memory_space<hbm>>
    %dma_wait3A_322 = arith.constant 0 : i32
    %dma_wait3A_323 = tpu.memref_slice %arg4[%multiple_of3A_290, %dma_wait3A_322] : memref<102400x128xf32, #tpu.memory_space<hbm>> -> memref<128x128xf32, #tpu.memory_space<hbm>>
    tpu.wait_dma2 semaphore(%arg22 : memref<!tpu.dma_semaphore, #tpu.memory_space<semaphore_mem>>) src(%arg10 : memref<128x128xf32, #tpu.memory_space<vmem>>) dst(%dma_wait3A_323 : memref<128x128xf32, #tpu.memory_space<hbm>>)
    %dma_start3A_324 = arith.constant 16 : i32
    %dma_start3A_325 = arith.constant 0 : i32
    %dma_start3A_326 = tpu.memref_slice %arg5[%dma_start3A_324, %dma_start3A_325] : memref<25x128xi32, #tpu.memory_space<vmem>> -> memref<1x128xi32, #tpu.memory_space<vmem>>
    %dma_start3A_327 = tpu.memref_squeeze %dma_start3A_326 : memref<1x128xi32, #tpu.memory_space<vmem>> -> memref<128xi32, #tpu.memory_space<vmem>>
    %dma_start3A_328 = arith.constant 0 : i32
    %dma_start3A_329 = arith.constant 0 : i32
    %dma_start3A_330 = tpu.memref_slice %arg2[%dma_start3A_328, %dma_start3A_329] : memref<100000x128xf32, #tpu.memory_space<hbm>> -> memref<100000x128xf32, #tpu.memory_space<hbm>>
    tpu.enqueue_indirect_dma source(%dma_start3A_330 : memref<100000x128xf32, #tpu.memory_space<hbm>>) target(%arg10 : memref<128x128xf32, #tpu.memory_space<vmem>>) offsets(%dma_start3A_327 : memref<128xi32, #tpu.memory_space<vmem>>) semaphore(%arg16 : memref<!tpu.dma_semaphore, #tpu.memory_space<semaphore_mem>>)
    %dma_wait3A_331 = arith.constant 12 : i32
    %dma_wait3A_332 = arith.constant 0 : i32
    %dma_wait3A_333 = tpu.memref_slice %arg5[%dma_wait3A_331, %dma_wait3A_332] : memref<25x128xi32, #tpu.memory_space<vmem>> -> memref<1x128xi32, #tpu.memory_space<vmem>>
    %dma_wait3A_334 = tpu.memref_squeeze %dma_wait3A_333 : memref<1x128xi32, #tpu.memory_space<vmem>> -> memref<128xi32, #tpu.memory_space<vmem>>
    %dma_wait3A_335 = arith.constant 0 : i32
    %dma_wait3A_336 = arith.constant 0 : i32
    %dma_wait3A_337 = tpu.memref_slice %arg2[%dma_wait3A_335, %dma_wait3A_336] : memref<100000x128xf32, #tpu.memory_space<hbm>> -> memref<100000x128xf32, #tpu.memory_space<hbm>>
    tpu.wait_indirect_dma semaphore(%arg12 : memref<!tpu.dma_semaphore, #tpu.memory_space<semaphore_mem>>) src(%dma_wait3A_337 : memref<100000x128xf32, #tpu.memory_space<hbm>>) dst(%arg6 : memref<128x128xf32, #tpu.memory_space<vmem>>)
    %add3A_338 = arith.constant 1536 : i32
    %add3A_339 = arith.addi %mul3A_2, %add3A_338 : i32
    %multiple_of3A_340 = tpu.assume_multiple %add3A_339, 8 : i32
    %dma_start3A_341 = arith.constant 0 : i32
    %dma_start3A_342 = tpu.memref_slice %arg4[%multiple_of3A_340, %dma_start3A_341] : memref<102400x128xf32, #tpu.memory_space<hbm>> -> memref<128x128xf32, #tpu.memory_space<hbm>>
    %dma_start3A_343 = arith.constant 0 : i32
    %dma_start3A_344 = tpu.memref_slice %arg4[%multiple_of3A_340, %dma_start3A_343] : memref<102400x128xf32, #tpu.memory_space<hbm>> -> memref<128x128xf32, #tpu.memory_space<hbm>>
    tpu.enqueue_dma source(%arg6 : memref<128x128xf32, #tpu.memory_space<vmem>>) target(%dma_start3A_344 : memref<128x128xf32, #tpu.memory_space<hbm>>) target_semaphore(%arg18 : memref<!tpu.dma_semaphore, #tpu.memory_space<semaphore_mem>>)
    %dma_wait3A_345 = arith.constant 0 : i32
    %dma_wait3A_346 = tpu.memref_slice %arg4[%multiple_of3A_315, %dma_wait3A_345] : memref<102400x128xf32, #tpu.memory_space<hbm>> -> memref<128x128xf32, #tpu.memory_space<hbm>>
    %dma_wait3A_347 = arith.constant 0 : i32
    %dma_wait3A_348 = tpu.memref_slice %arg4[%multiple_of3A_315, %dma_wait3A_347] : memref<102400x128xf32, #tpu.memory_space<hbm>> -> memref<128x128xf32, #tpu.memory_space<hbm>>
    tpu.wait_dma2 semaphore(%arg23 : memref<!tpu.dma_semaphore, #tpu.memory_space<semaphore_mem>>) src(%arg11 : memref<128x128xf32, #tpu.memory_space<vmem>>) dst(%dma_wait3A_348 : memref<128x128xf32, #tpu.memory_space<hbm>>)
    %dma_start3A_349 = arith.constant 17 : i32
    %dma_start3A_350 = arith.constant 0 : i32
    %dma_start3A_351 = tpu.memref_slice %arg5[%dma_start3A_349, %dma_start3A_350] : memref<25x128xi32, #tpu.memory_space<vmem>> -> memref<1x128xi32, #tpu.memory_space<vmem>>
    %dma_start3A_352 = tpu.memref_squeeze %dma_start3A_351 : memref<1x128xi32, #tpu.memory_space<vmem>> -> memref<128xi32, #tpu.memory_space<vmem>>
    %dma_start3A_353 = arith.constant 0 : i32
    %dma_start3A_354 = arith.constant 0 : i32
    %dma_start3A_355 = tpu.memref_slice %arg2[%dma_start3A_353, %dma_start3A_354] : memref<100000x128xf32, #tpu.memory_space<hbm>> -> memref<100000x128xf32, #tpu.memory_space<hbm>>
    tpu.enqueue_indirect_dma source(%dma_start3A_355 : memref<100000x128xf32, #tpu.memory_space<hbm>>) target(%arg11 : memref<128x128xf32, #tpu.memory_space<vmem>>) offsets(%dma_start3A_352 : memref<128xi32, #tpu.memory_space<vmem>>) semaphore(%arg17 : memref<!tpu.dma_semaphore, #tpu.memory_space<semaphore_mem>>)
    %dma_wait3A_356 = arith.constant 13 : i32
    %dma_wait3A_357 = arith.constant 0 : i32
    %dma_wait3A_358 = tpu.memref_slice %arg5[%dma_wait3A_356, %dma_wait3A_357] : memref<25x128xi32, #tpu.memory_space<vmem>> -> memref<1x128xi32, #tpu.memory_space<vmem>>
    %dma_wait3A_359 = tpu.memref_squeeze %dma_wait3A_358 : memref<1x128xi32, #tpu.memory_space<vmem>> -> memref<128xi32, #tpu.memory_space<vmem>>
    %dma_wait3A_360 = arith.constant 0 : i32
    %dma_wait3A_361 = arith.constant 0 : i32
    %dma_wait3A_362 = tpu.memref_slice %arg2[%dma_wait3A_360, %dma_wait3A_361] : memref<100000x128xf32, #tpu.memory_space<hbm>> -> memref<100000x128xf32, #tpu.memory_space<hbm>>
    tpu.wait_indirect_dma semaphore(%arg13 : memref<!tpu.dma_semaphore, #tpu.memory_space<semaphore_mem>>) src(%dma_wait3A_362 : memref<100000x128xf32, #tpu.memory_space<hbm>>) dst(%arg7 : memref<128x128xf32, #tpu.memory_space<vmem>>)
    %add3A_363 = arith.constant 1664 : i32
    %add3A_364 = arith.addi %mul3A_2, %add3A_363 : i32
    %multiple_of3A_365 = tpu.assume_multiple %add3A_364, 8 : i32
    %dma_start3A_366 = arith.constant 0 : i32
    %dma_start3A_367 = tpu.memref_slice %arg4[%multiple_of3A_365, %dma_start3A_366] : memref<102400x128xf32, #tpu.memory_space<hbm>> -> memref<128x128xf32, #tpu.memory_space<hbm>>
    %dma_start3A_368 = arith.constant 0 : i32
    %dma_start3A_369 = tpu.memref_slice %arg4[%multiple_of3A_365, %dma_start3A_368] : memref<102400x128xf32, #tpu.memory_space<hbm>> -> memref<128x128xf32, #tpu.memory_space<hbm>>
    tpu.enqueue_dma source(%arg7 : memref<128x128xf32, #tpu.memory_space<vmem>>) target(%dma_start3A_369 : memref<128x128xf32, #tpu.memory_space<hbm>>) target_semaphore(%arg19 : memref<!tpu.dma_semaphore, #tpu.memory_space<semaphore_mem>>)
    %dma_wait3A_370 = arith.constant 0 : i32
    %dma_wait3A_371 = tpu.memref_slice %arg4[%multiple_of3A_340, %dma_wait3A_370] : memref<102400x128xf32, #tpu.memory_space<hbm>> -> memref<128x128xf32, #tpu.memory_space<hbm>>
    %dma_wait3A_372 = arith.constant 0 : i32
    %dma_wait3A_373 = tpu.memref_slice %arg4[%multiple_of3A_340, %dma_wait3A_372] : memref<102400x128xf32, #tpu.memory_space<hbm>> -> memref<128x128xf32, #tpu.memory_space<hbm>>
    tpu.wait_dma2 semaphore(%arg18 : memref<!tpu.dma_semaphore, #tpu.memory_space<semaphore_mem>>) src(%arg6 : memref<128x128xf32, #tpu.memory_space<vmem>>) dst(%dma_wait3A_373 : memref<128x128xf32, #tpu.memory_space<hbm>>)
    %dma_start3A_374 = arith.constant 18 : i32
    %dma_start3A_375 = arith.constant 0 : i32
    %dma_start3A_376 = tpu.memref_slice %arg5[%dma_start3A_374, %dma_start3A_375] : memref<25x128xi32, #tpu.memory_space<vmem>> -> memref<1x128xi32, #tpu.memory_space<vmem>>
    %dma_start3A_377 = tpu.memref_squeeze %dma_start3A_376 : memref<1x128xi32, #tpu.memory_space<vmem>> -> memref<128xi32, #tpu.memory_space<vmem>>
    %dma_start3A_378 = arith.constant 0 : i32
    %dma_start3A_379 = arith.constant 0 : i32
    %dma_start3A_380 = tpu.memref_slice %arg2[%dma_start3A_378, %dma_start3A_379] : memref<100000x128xf32, #tpu.memory_space<hbm>> -> memref<100000x128xf32, #tpu.memory_space<hbm>>
    tpu.enqueue_indirect_dma source(%dma_start3A_380 : memref<100000x128xf32, #tpu.memory_space<hbm>>) target(%arg6 : memref<128x128xf32, #tpu.memory_space<vmem>>) offsets(%dma_start3A_377 : memref<128xi32, #tpu.memory_space<vmem>>) semaphore(%arg12 : memref<!tpu.dma_semaphore, #tpu.memory_space<semaphore_mem>>)
    %dma_wait3A_381 = arith.constant 14 : i32
    %dma_wait3A_382 = arith.constant 0 : i32
    %dma_wait3A_383 = tpu.memref_slice %arg5[%dma_wait3A_381, %dma_wait3A_382] : memref<25x128xi32, #tpu.memory_space<vmem>> -> memref<1x128xi32, #tpu.memory_space<vmem>>
    %dma_wait3A_384 = tpu.memref_squeeze %dma_wait3A_383 : memref<1x128xi32, #tpu.memory_space<vmem>> -> memref<128xi32, #tpu.memory_space<vmem>>
    %dma_wait3A_385 = arith.constant 0 : i32
    %dma_wait3A_386 = arith.constant 0 : i32
    %dma_wait3A_387 = tpu.memref_slice %arg2[%dma_wait3A_385, %dma_wait3A_386] : memref<100000x128xf32, #tpu.memory_space<hbm>> -> memref<100000x128xf32, #tpu.memory_space<hbm>>
    tpu.wait_indirect_dma semaphore(%arg14 : memref<!tpu.dma_semaphore, #tpu.memory_space<semaphore_mem>>) src(%dma_wait3A_387 : memref<100000x128xf32, #tpu.memory_space<hbm>>) dst(%arg8 : memref<128x128xf32, #tpu.memory_space<vmem>>)
    %add3A_388 = arith.constant 1792 : i32
    %add3A_389 = arith.addi %mul3A_2, %add3A_388 : i32
    %multiple_of3A_390 = tpu.assume_multiple %add3A_389, 8 : i32
    %dma_start3A_391 = arith.constant 0 : i32
    %dma_start3A_392 = tpu.memref_slice %arg4[%multiple_of3A_390, %dma_start3A_391] : memref<102400x128xf32, #tpu.memory_space<hbm>> -> memref<128x128xf32, #tpu.memory_space<hbm>>
    %dma_start3A_393 = arith.constant 0 : i32
    %dma_start3A_394 = tpu.memref_slice %arg4[%multiple_of3A_390, %dma_start3A_393] : memref<102400x128xf32, #tpu.memory_space<hbm>> -> memref<128x128xf32, #tpu.memory_space<hbm>>
    tpu.enqueue_dma source(%arg8 : memref<128x128xf32, #tpu.memory_space<vmem>>) target(%dma_start3A_394 : memref<128x128xf32, #tpu.memory_space<hbm>>) target_semaphore(%arg20 : memref<!tpu.dma_semaphore, #tpu.memory_space<semaphore_mem>>)
    %dma_wait3A_395 = arith.constant 0 : i32
    %dma_wait3A_396 = tpu.memref_slice %arg4[%multiple_of3A_365, %dma_wait3A_395] : memref<102400x128xf32, #tpu.memory_space<hbm>> -> memref<128x128xf32, #tpu.memory_space<hbm>>
    %dma_wait3A_397 = arith.constant 0 : i32
    %dma_wait3A_398 = tpu.memref_slice %arg4[%multiple_of3A_365, %dma_wait3A_397] : memref<102400x128xf32, #tpu.memory_space<hbm>> -> memref<128x128xf32, #tpu.memory_space<hbm>>
    tpu.wait_dma2 semaphore(%arg19 : memref<!tpu.dma_semaphore, #tpu.memory_space<semaphore_mem>>) src(%arg7 : memref<128x128xf32, #tpu.memory_space<vmem>>) dst(%dma_wait3A_398 : memref<128x128xf32, #tpu.memory_space<hbm>>)
    %dma_start3A_399 = arith.constant 19 : i32
    %dma_start3A_400 = arith.constant 0 : i32
    %dma_start3A_401 = tpu.memref_slice %arg5[%dma_start3A_399, %dma_start3A_400] : memref<25x128xi32, #tpu.memory_space<vmem>> -> memref<1x128xi32, #tpu.memory_space<vmem>>
    %dma_start3A_402 = tpu.memref_squeeze %dma_start3A_401 : memref<1x128xi32, #tpu.memory_space<vmem>> -> memref<128xi32, #tpu.memory_space<vmem>>
    %dma_start3A_403 = arith.constant 0 : i32
    %dma_start3A_404 = arith.constant 0 : i32
    %dma_start3A_405 = tpu.memref_slice %arg2[%dma_start3A_403, %dma_start3A_404] : memref<100000x128xf32, #tpu.memory_space<hbm>> -> memref<100000x128xf32, #tpu.memory_space<hbm>>
    tpu.enqueue_indirect_dma source(%dma_start3A_405 : memref<100000x128xf32, #tpu.memory_space<hbm>>) target(%arg7 : memref<128x128xf32, #tpu.memory_space<vmem>>) offsets(%dma_start3A_402 : memref<128xi32, #tpu.memory_space<vmem>>) semaphore(%arg13 : memref<!tpu.dma_semaphore, #tpu.memory_space<semaphore_mem>>)
    %dma_wait3A_406 = arith.constant 15 : i32
    %dma_wait3A_407 = arith.constant 0 : i32
    %dma_wait3A_408 = tpu.memref_slice %arg5[%dma_wait3A_406, %dma_wait3A_407] : memref<25x128xi32, #tpu.memory_space<vmem>> -> memref<1x128xi32, #tpu.memory_space<vmem>>
    %dma_wait3A_409 = tpu.memref_squeeze %dma_wait3A_408 : memref<1x128xi32, #tpu.memory_space<vmem>> -> memref<128xi32, #tpu.memory_space<vmem>>
    %dma_wait3A_410 = arith.constant 0 : i32
    %dma_wait3A_411 = arith.constant 0 : i32
    %dma_wait3A_412 = tpu.memref_slice %arg2[%dma_wait3A_410, %dma_wait3A_411] : memref<100000x128xf32, #tpu.memory_space<hbm>> -> memref<100000x128xf32, #tpu.memory_space<hbm>>
    tpu.wait_indirect_dma semaphore(%arg15 : memref<!tpu.dma_semaphore, #tpu.memory_space<semaphore_mem>>) src(%dma_wait3A_412 : memref<100000x128xf32, #tpu.memory_space<hbm>>) dst(%arg9 : memref<128x128xf32, #tpu.memory_space<vmem>>)
    %add3A_413 = arith.constant 1920 : i32
    %add3A_414 = arith.addi %mul3A_2, %add3A_413 : i32
    %multiple_of3A_415 = tpu.assume_multiple %add3A_414, 8 : i32
    %dma_start3A_416 = arith.constant 0 : i32
    %dma_start3A_417 = tpu.memref_slice %arg4[%multiple_of3A_415, %dma_start3A_416] : memref<102400x128xf32, #tpu.memory_space<hbm>> -> memref<128x128xf32, #tpu.memory_space<hbm>>
    %dma_start3A_418 = arith.constant 0 : i32
    %dma_start3A_419 = tpu.memref_slice %arg4[%multiple_of3A_415, %dma_start3A_418] : memref<102400x128xf32, #tpu.memory_space<hbm>> -> memref<128x128xf32, #tpu.memory_space<hbm>>
    tpu.enqueue_dma source(%arg9 : memref<128x128xf32, #tpu.memory_space<vmem>>) target(%dma_start3A_419 : memref<128x128xf32, #tpu.memory_space<hbm>>) target_semaphore(%arg21 : memref<!tpu.dma_semaphore, #tpu.memory_space<semaphore_mem>>)
    %dma_wait3A_420 = arith.constant 0 : i32
    %dma_wait3A_421 = tpu.memref_slice %arg4[%multiple_of3A_390, %dma_wait3A_420] : memref<102400x128xf32, #tpu.memory_space<hbm>> -> memref<128x128xf32, #tpu.memory_space<hbm>>
    %dma_wait3A_422 = arith.constant 0 : i32
    %dma_wait3A_423 = tpu.memref_slice %arg4[%multiple_of3A_390, %dma_wait3A_422] : memref<102400x128xf32, #tpu.memory_space<hbm>> -> memref<128x128xf32, #tpu.memory_space<hbm>>
    tpu.wait_dma2 semaphore(%arg20 : memref<!tpu.dma_semaphore, #tpu.memory_space<semaphore_mem>>) src(%arg8 : memref<128x128xf32, #tpu.memory_space<vmem>>) dst(%dma_wait3A_423 : memref<128x128xf32, #tpu.memory_space<hbm>>)
    %dma_start3A_424 = arith.constant 20 : i32
    %dma_start3A_425 = arith.constant 0 : i32
    %dma_start3A_426 = tpu.memref_slice %arg5[%dma_start3A_424, %dma_start3A_425] : memref<25x128xi32, #tpu.memory_space<vmem>> -> memref<1x128xi32, #tpu.memory_space<vmem>>
    %dma_start3A_427 = tpu.memref_squeeze %dma_start3A_426 : memref<1x128xi32, #tpu.memory_space<vmem>> -> memref<128xi32, #tpu.memory_space<vmem>>
    %dma_start3A_428 = arith.constant 0 : i32
    %dma_start3A_429 = arith.constant 0 : i32
    %dma_start3A_430 = tpu.memref_slice %arg2[%dma_start3A_428, %dma_start3A_429] : memref<100000x128xf32, #tpu.memory_space<hbm>> -> memref<100000x128xf32, #tpu.memory_space<hbm>>
    tpu.enqueue_indirect_dma source(%dma_start3A_430 : memref<100000x128xf32, #tpu.memory_space<hbm>>) target(%arg8 : memref<128x128xf32, #tpu.memory_space<vmem>>) offsets(%dma_start3A_427 : memref<128xi32, #tpu.memory_space<vmem>>) semaphore(%arg14 : memref<!tpu.dma_semaphore, #tpu.memory_space<semaphore_mem>>)
    %dma_wait3A_431 = arith.constant 16 : i32
    %dma_wait3A_432 = arith.constant 0 : i32
    %dma_wait3A_433 = tpu.memref_slice %arg5[%dma_wait3A_431, %dma_wait3A_432] : memref<25x128xi32, #tpu.memory_space<vmem>> -> memref<1x128xi32, #tpu.memory_space<vmem>>
    %dma_wait3A_434 = tpu.memref_squeeze %dma_wait3A_433 : memref<1x128xi32, #tpu.memory_space<vmem>> -> memref<128xi32, #tpu.memory_space<vmem>>
    %dma_wait3A_435 = arith.constant 0 : i32
    %dma_wait3A_436 = arith.constant 0 : i32
    %dma_wait3A_437 = tpu.memref_slice %arg2[%dma_wait3A_435, %dma_wait3A_436] : memref<100000x128xf32, #tpu.memory_space<hbm>> -> memref<100000x128xf32, #tpu.memory_space<hbm>>
    tpu.wait_indirect_dma semaphore(%arg16 : memref<!tpu.dma_semaphore, #tpu.memory_space<semaphore_mem>>) src(%dma_wait3A_437 : memref<100000x128xf32, #tpu.memory_space<hbm>>) dst(%arg10 : memref<128x128xf32, #tpu.memory_space<vmem>>)
    %add3A_438 = arith.constant 2048 : i32
    %add3A_439 = arith.addi %mul3A_2, %add3A_438 : i32
    %multiple_of3A_440 = tpu.assume_multiple %add3A_439, 8 : i32
    %dma_start3A_441 = arith.constant 0 : i32
    %dma_start3A_442 = tpu.memref_slice %arg4[%multiple_of3A_440, %dma_start3A_441] : memref<102400x128xf32, #tpu.memory_space<hbm>> -> memref<128x128xf32, #tpu.memory_space<hbm>>
    %dma_start3A_443 = arith.constant 0 : i32
    %dma_start3A_444 = tpu.memref_slice %arg4[%multiple_of3A_440, %dma_start3A_443] : memref<102400x128xf32, #tpu.memory_space<hbm>> -> memref<128x128xf32, #tpu.memory_space<hbm>>
    tpu.enqueue_dma source(%arg10 : memref<128x128xf32, #tpu.memory_space<vmem>>) target(%dma_start3A_444 : memref<128x128xf32, #tpu.memory_space<hbm>>) target_semaphore(%arg22 : memref<!tpu.dma_semaphore, #tpu.memory_space<semaphore_mem>>)
    %dma_wait3A_445 = arith.constant 0 : i32
    %dma_wait3A_446 = tpu.memref_slice %arg4[%multiple_of3A_415, %dma_wait3A_445] : memref<102400x128xf32, #tpu.memory_space<hbm>> -> memref<128x128xf32, #tpu.memory_space<hbm>>
    %dma_wait3A_447 = arith.constant 0 : i32
    %dma_wait3A_448 = tpu.memref_slice %arg4[%multiple_of3A_415, %dma_wait3A_447] : memref<102400x128xf32, #tpu.memory_space<hbm>> -> memref<128x128xf32, #tpu.memory_space<hbm>>
    tpu.wait_dma2 semaphore(%arg21 : memref<!tpu.dma_semaphore, #tpu.memory_space<semaphore_mem>>) src(%arg9 : memref<128x128xf32, #tpu.memory_space<vmem>>) dst(%dma_wait3A_448 : memref<128x128xf32, #tpu.memory_space<hbm>>)
    %dma_start3A_449 = arith.constant 21 : i32
    %dma_start3A_450 = arith.constant 0 : i32
    %dma_start3A_451 = tpu.memref_slice %arg5[%dma_start3A_449, %dma_start3A_450] : memref<25x128xi32, #tpu.memory_space<vmem>> -> memref<1x128xi32, #tpu.memory_space<vmem>>
    %dma_start3A_452 = tpu.memref_squeeze %dma_start3A_451 : memref<1x128xi32, #tpu.memory_space<vmem>> -> memref<128xi32, #tpu.memory_space<vmem>>
    %dma_start3A_453 = arith.constant 0 : i32
    %dma_start3A_454 = arith.constant 0 : i32
    %dma_start3A_455 = tpu.memref_slice %arg2[%dma_start3A_453, %dma_start3A_454] : memref<100000x128xf32, #tpu.memory_space<hbm>> -> memref<100000x128xf32, #tpu.memory_space<hbm>>
    tpu.enqueue_indirect_dma source(%dma_start3A_455 : memref<100000x128xf32, #tpu.memory_space<hbm>>) target(%arg9 : memref<128x128xf32, #tpu.memory_space<vmem>>) offsets(%dma_start3A_452 : memref<128xi32, #tpu.memory_space<vmem>>) semaphore(%arg15 : memref<!tpu.dma_semaphore, #tpu.memory_space<semaphore_mem>>)
    %dma_wait3A_456 = arith.constant 17 : i32
    %dma_wait3A_457 = arith.constant 0 : i32
    %dma_wait3A_458 = tpu.memref_slice %arg5[%dma_wait3A_456, %dma_wait3A_457] : memref<25x128xi32, #tpu.memory_space<vmem>> -> memref<1x128xi32, #tpu.memory_space<vmem>>
    %dma_wait3A_459 = tpu.memref_squeeze %dma_wait3A_458 : memref<1x128xi32, #tpu.memory_space<vmem>> -> memref<128xi32, #tpu.memory_space<vmem>>
    %dma_wait3A_460 = arith.constant 0 : i32
    %dma_wait3A_461 = arith.constant 0 : i32
    %dma_wait3A_462 = tpu.memref_slice %arg2[%dma_wait3A_460, %dma_wait3A_461] : memref<100000x128xf32, #tpu.memory_space<hbm>> -> memref<100000x128xf32, #tpu.memory_space<hbm>>
    tpu.wait_indirect_dma semaphore(%arg17 : memref<!tpu.dma_semaphore, #tpu.memory_space<semaphore_mem>>) src(%dma_wait3A_462 : memref<100000x128xf32, #tpu.memory_space<hbm>>) dst(%arg11 : memref<128x128xf32, #tpu.memory_space<vmem>>)
    %add3A_463 = arith.constant 2176 : i32
    %add3A_464 = arith.addi %mul3A_2, %add3A_463 : i32
    %multiple_of3A_465 = tpu.assume_multiple %add3A_464, 8 : i32
    %dma_start3A_466 = arith.constant 0 : i32
    %dma_start3A_467 = tpu.memref_slice %arg4[%multiple_of3A_465, %dma_start3A_466] : memref<102400x128xf32, #tpu.memory_space<hbm>> -> memref<128x128xf32, #tpu.memory_space<hbm>>
    %dma_start3A_468 = arith.constant 0 : i32
    %dma_start3A_469 = tpu.memref_slice %arg4[%multiple_of3A_465, %dma_start3A_468] : memref<102400x128xf32, #tpu.memory_space<hbm>> -> memref<128x128xf32, #tpu.memory_space<hbm>>
    tpu.enqueue_dma source(%arg11 : memref<128x128xf32, #tpu.memory_space<vmem>>) target(%dma_start3A_469 : memref<128x128xf32, #tpu.memory_space<hbm>>) target_semaphore(%arg23 : memref<!tpu.dma_semaphore, #tpu.memory_space<semaphore_mem>>)
    %dma_wait3A_470 = arith.constant 0 : i32
    %dma_wait3A_471 = tpu.memref_slice %arg4[%multiple_of3A_440, %dma_wait3A_470] : memref<102400x128xf32, #tpu.memory_space<hbm>> -> memref<128x128xf32, #tpu.memory_space<hbm>>
    %dma_wait3A_472 = arith.constant 0 : i32
    %dma_wait3A_473 = tpu.memref_slice %arg4[%multiple_of3A_440, %dma_wait3A_472] : memref<102400x128xf32, #tpu.memory_space<hbm>> -> memref<128x128xf32, #tpu.memory_space<hbm>>
    tpu.wait_dma2 semaphore(%arg22 : memref<!tpu.dma_semaphore, #tpu.memory_space<semaphore_mem>>) src(%arg10 : memref<128x128xf32, #tpu.memory_space<vmem>>) dst(%dma_wait3A_473 : memref<128x128xf32, #tpu.memory_space<hbm>>)
    %dma_start3A_474 = arith.constant 22 : i32
    %dma_start3A_475 = arith.constant 0 : i32
    %dma_start3A_476 = tpu.memref_slice %arg5[%dma_start3A_474, %dma_start3A_475] : memref<25x128xi32, #tpu.memory_space<vmem>> -> memref<1x128xi32, #tpu.memory_space<vmem>>
    %dma_start3A_477 = tpu.memref_squeeze %dma_start3A_476 : memref<1x128xi32, #tpu.memory_space<vmem>> -> memref<128xi32, #tpu.memory_space<vmem>>
    %dma_start3A_478 = arith.constant 0 : i32
    %dma_start3A_479 = arith.constant 0 : i32
    %dma_start3A_480 = tpu.memref_slice %arg2[%dma_start3A_478, %dma_start3A_479] : memref<100000x128xf32, #tpu.memory_space<hbm>> -> memref<100000x128xf32, #tpu.memory_space<hbm>>
    tpu.enqueue_indirect_dma source(%dma_start3A_480 : memref<100000x128xf32, #tpu.memory_space<hbm>>) target(%arg10 : memref<128x128xf32, #tpu.memory_space<vmem>>) offsets(%dma_start3A_477 : memref<128xi32, #tpu.memory_space<vmem>>) semaphore(%arg16 : memref<!tpu.dma_semaphore, #tpu.memory_space<semaphore_mem>>)
    %dma_wait3A_481 = arith.constant 18 : i32
    %dma_wait3A_482 = arith.constant 0 : i32
    %dma_wait3A_483 = tpu.memref_slice %arg5[%dma_wait3A_481, %dma_wait3A_482] : memref<25x128xi32, #tpu.memory_space<vmem>> -> memref<1x128xi32, #tpu.memory_space<vmem>>
    %dma_wait3A_484 = tpu.memref_squeeze %dma_wait3A_483 : memref<1x128xi32, #tpu.memory_space<vmem>> -> memref<128xi32, #tpu.memory_space<vmem>>
    %dma_wait3A_485 = arith.constant 0 : i32
    %dma_wait3A_486 = arith.constant 0 : i32
    %dma_wait3A_487 = tpu.memref_slice %arg2[%dma_wait3A_485, %dma_wait3A_486] : memref<100000x128xf32, #tpu.memory_space<hbm>> -> memref<100000x128xf32, #tpu.memory_space<hbm>>
    tpu.wait_indirect_dma semaphore(%arg12 : memref<!tpu.dma_semaphore, #tpu.memory_space<semaphore_mem>>) src(%dma_wait3A_487 : memref<100000x128xf32, #tpu.memory_space<hbm>>) dst(%arg6 : memref<128x128xf32, #tpu.memory_space<vmem>>)
    %add3A_488 = arith.constant 2304 : i32
    %add3A_489 = arith.addi %mul3A_2, %add3A_488 : i32
    %multiple_of3A_490 = tpu.assume_multiple %add3A_489, 8 : i32
    %dma_start3A_491 = arith.constant 0 : i32
    %dma_start3A_492 = tpu.memref_slice %arg4[%multiple_of3A_490, %dma_start3A_491] : memref<102400x128xf32, #tpu.memory_space<hbm>> -> memref<128x128xf32, #tpu.memory_space<hbm>>
    %dma_start3A_493 = arith.constant 0 : i32
    %dma_start3A_494 = tpu.memref_slice %arg4[%multiple_of3A_490, %dma_start3A_493] : memref<102400x128xf32, #tpu.memory_space<hbm>> -> memref<128x128xf32, #tpu.memory_space<hbm>>
    tpu.enqueue_dma source(%arg6 : memref<128x128xf32, #tpu.memory_space<vmem>>) target(%dma_start3A_494 : memref<128x128xf32, #tpu.memory_space<hbm>>) target_semaphore(%arg18 : memref<!tpu.dma_semaphore, #tpu.memory_space<semaphore_mem>>)
    %dma_wait3A_495 = arith.constant 0 : i32
    %dma_wait3A_496 = tpu.memref_slice %arg4[%multiple_of3A_465, %dma_wait3A_495] : memref<102400x128xf32, #tpu.memory_space<hbm>> -> memref<128x128xf32, #tpu.memory_space<hbm>>
    %dma_wait3A_497 = arith.constant 0 : i32
    %dma_wait3A_498 = tpu.memref_slice %arg4[%multiple_of3A_465, %dma_wait3A_497] : memref<102400x128xf32, #tpu.memory_space<hbm>> -> memref<128x128xf32, #tpu.memory_space<hbm>>
    tpu.wait_dma2 semaphore(%arg23 : memref<!tpu.dma_semaphore, #tpu.memory_space<semaphore_mem>>) src(%arg11 : memref<128x128xf32, #tpu.memory_space<vmem>>) dst(%dma_wait3A_498 : memref<128x128xf32, #tpu.memory_space<hbm>>)
    %dma_start3A_499 = arith.constant 23 : i32
    %dma_start3A_500 = arith.constant 0 : i32
    %dma_start3A_501 = tpu.memref_slice %arg5[%dma_start3A_499, %dma_start3A_500] : memref<25x128xi32, #tpu.memory_space<vmem>> -> memref<1x128xi32, #tpu.memory_space<vmem>>
    %dma_start3A_502 = tpu.memref_squeeze %dma_start3A_501 : memref<1x128xi32, #tpu.memory_space<vmem>> -> memref<128xi32, #tpu.memory_space<vmem>>
    %dma_start3A_503 = arith.constant 0 : i32
    %dma_start3A_504 = arith.constant 0 : i32
    %dma_start3A_505 = tpu.memref_slice %arg2[%dma_start3A_503, %dma_start3A_504] : memref<100000x128xf32, #tpu.memory_space<hbm>> -> memref<100000x128xf32, #tpu.memory_space<hbm>>
    tpu.enqueue_indirect_dma source(%dma_start3A_505 : memref<100000x128xf32, #tpu.memory_space<hbm>>) target(%arg11 : memref<128x128xf32, #tpu.memory_space<vmem>>) offsets(%dma_start3A_502 : memref<128xi32, #tpu.memory_space<vmem>>) semaphore(%arg17 : memref<!tpu.dma_semaphore, #tpu.memory_space<semaphore_mem>>)
    %dma_wait3A_506 = arith.constant 19 : i32
    %dma_wait3A_507 = arith.constant 0 : i32
    %dma_wait3A_508 = tpu.memref_slice %arg5[%dma_wait3A_506, %dma_wait3A_507] : memref<25x128xi32, #tpu.memory_space<vmem>> -> memref<1x128xi32, #tpu.memory_space<vmem>>
    %dma_wait3A_509 = tpu.memref_squeeze %dma_wait3A_508 : memref<1x128xi32, #tpu.memory_space<vmem>> -> memref<128xi32, #tpu.memory_space<vmem>>
    %dma_wait3A_510 = arith.constant 0 : i32
    %dma_wait3A_511 = arith.constant 0 : i32
    %dma_wait3A_512 = tpu.memref_slice %arg2[%dma_wait3A_510, %dma_wait3A_511] : memref<100000x128xf32, #tpu.memory_space<hbm>> -> memref<100000x128xf32, #tpu.memory_space<hbm>>
    tpu.wait_indirect_dma semaphore(%arg13 : memref<!tpu.dma_semaphore, #tpu.memory_space<semaphore_mem>>) src(%dma_wait3A_512 : memref<100000x128xf32, #tpu.memory_space<hbm>>) dst(%arg7 : memref<128x128xf32, #tpu.memory_space<vmem>>)
    %add3A_513 = arith.constant 2432 : i32
    %add3A_514 = arith.addi %mul3A_2, %add3A_513 : i32
    %multiple_of3A_515 = tpu.assume_multiple %add3A_514, 8 : i32
    %dma_start3A_516 = arith.constant 0 : i32
    %dma_start3A_517 = tpu.memref_slice %arg4[%multiple_of3A_515, %dma_start3A_516] : memref<102400x128xf32, #tpu.memory_space<hbm>> -> memref<128x128xf32, #tpu.memory_space<hbm>>
    %dma_start3A_518 = arith.constant 0 : i32
    %dma_start3A_519 = tpu.memref_slice %arg4[%multiple_of3A_515, %dma_start3A_518] : memref<102400x128xf32, #tpu.memory_space<hbm>> -> memref<128x128xf32, #tpu.memory_space<hbm>>
    tpu.enqueue_dma source(%arg7 : memref<128x128xf32, #tpu.memory_space<vmem>>) target(%dma_start3A_519 : memref<128x128xf32, #tpu.memory_space<hbm>>) target_semaphore(%arg19 : memref<!tpu.dma_semaphore, #tpu.memory_space<semaphore_mem>>)
    %dma_wait3A_520 = arith.constant 0 : i32
    %dma_wait3A_521 = tpu.memref_slice %arg4[%multiple_of3A_490, %dma_wait3A_520] : memref<102400x128xf32, #tpu.memory_space<hbm>> -> memref<128x128xf32, #tpu.memory_space<hbm>>
    %dma_wait3A_522 = arith.constant 0 : i32
    %dma_wait3A_523 = tpu.memref_slice %arg4[%multiple_of3A_490, %dma_wait3A_522] : memref<102400x128xf32, #tpu.memory_space<hbm>> -> memref<128x128xf32, #tpu.memory_space<hbm>>
    tpu.wait_dma2 semaphore(%arg18 : memref<!tpu.dma_semaphore, #tpu.memory_space<semaphore_mem>>) src(%arg6 : memref<128x128xf32, #tpu.memory_space<vmem>>) dst(%dma_wait3A_523 : memref<128x128xf32, #tpu.memory_space<hbm>>)
    %dma_start3A_524 = arith.constant 24 : i32
    %dma_start3A_525 = arith.constant 0 : i32
    %dma_start3A_526 = tpu.memref_slice %arg5[%dma_start3A_524, %dma_start3A_525] : memref<25x128xi32, #tpu.memory_space<vmem>> -> memref<1x128xi32, #tpu.memory_space<vmem>>
    %dma_start3A_527 = tpu.memref_squeeze %dma_start3A_526 : memref<1x128xi32, #tpu.memory_space<vmem>> -> memref<128xi32, #tpu.memory_space<vmem>>
    %dma_start3A_528 = arith.constant 0 : i32
    %dma_start3A_529 = arith.constant 0 : i32
    %dma_start3A_530 = tpu.memref_slice %arg2[%dma_start3A_528, %dma_start3A_529] : memref<100000x128xf32, #tpu.memory_space<hbm>> -> memref<100000x128xf32, #tpu.memory_space<hbm>>
    tpu.enqueue_indirect_dma source(%dma_start3A_530 : memref<100000x128xf32, #tpu.memory_space<hbm>>) target(%arg6 : memref<128x128xf32, #tpu.memory_space<vmem>>) offsets(%dma_start3A_527 : memref<128xi32, #tpu.memory_space<vmem>>) semaphore(%arg12 : memref<!tpu.dma_semaphore, #tpu.memory_space<semaphore_mem>>)
    %dma_wait3A_531 = arith.constant 20 : i32
    %dma_wait3A_532 = arith.constant 0 : i32
    %dma_wait3A_533 = tpu.memref_slice %arg5[%dma_wait3A_531, %dma_wait3A_532] : memref<25x128xi32, #tpu.memory_space<vmem>> -> memref<1x128xi32, #tpu.memory_space<vmem>>
    %dma_wait3A_534 = tpu.memref_squeeze %dma_wait3A_533 : memref<1x128xi32, #tpu.memory_space<vmem>> -> memref<128xi32, #tpu.memory_space<vmem>>
    %dma_wait3A_535 = arith.constant 0 : i32
    %dma_wait3A_536 = arith.constant 0 : i32
    %dma_wait3A_537 = tpu.memref_slice %arg2[%dma_wait3A_535, %dma_wait3A_536] : memref<100000x128xf32, #tpu.memory_space<hbm>> -> memref<100000x128xf32, #tpu.memory_space<hbm>>
    tpu.wait_indirect_dma semaphore(%arg14 : memref<!tpu.dma_semaphore, #tpu.memory_space<semaphore_mem>>) src(%dma_wait3A_537 : memref<100000x128xf32, #tpu.memory_space<hbm>>) dst(%arg8 : memref<128x128xf32, #tpu.memory_space<vmem>>)
    %add3A_538 = arith.constant 2560 : i32
    %add3A_539 = arith.addi %mul3A_2, %add3A_538 : i32
    %multiple_of3A_540 = tpu.assume_multiple %add3A_539, 8 : i32
    %dma_start3A_541 = arith.constant 0 : i32
    %dma_start3A_542 = tpu.memref_slice %arg4[%multiple_of3A_540, %dma_start3A_541] : memref<102400x128xf32, #tpu.memory_space<hbm>> -> memref<128x128xf32, #tpu.memory_space<hbm>>
    %dma_start3A_543 = arith.constant 0 : i32
    %dma_start3A_544 = tpu.memref_slice %arg4[%multiple_of3A_540, %dma_start3A_543] : memref<102400x128xf32, #tpu.memory_space<hbm>> -> memref<128x128xf32, #tpu.memory_space<hbm>>
    tpu.enqueue_dma source(%arg8 : memref<128x128xf32, #tpu.memory_space<vmem>>) target(%dma_start3A_544 : memref<128x128xf32, #tpu.memory_space<hbm>>) target_semaphore(%arg20 : memref<!tpu.dma_semaphore, #tpu.memory_space<semaphore_mem>>)
    %dma_wait3A_545 = arith.constant 21 : i32
    %dma_wait3A_546 = arith.constant 0 : i32
    %dma_wait3A_547 = tpu.memref_slice %arg5[%dma_wait3A_545, %dma_wait3A_546] : memref<25x128xi32, #tpu.memory_space<vmem>> -> memref<1x128xi32, #tpu.memory_space<vmem>>
    %dma_wait3A_548 = tpu.memref_squeeze %dma_wait3A_547 : memref<1x128xi32, #tpu.memory_space<vmem>> -> memref<128xi32, #tpu.memory_space<vmem>>
    %dma_wait3A_549 = arith.constant 0 : i32
    %dma_wait3A_550 = arith.constant 0 : i32
    %dma_wait3A_551 = tpu.memref_slice %arg2[%dma_wait3A_549, %dma_wait3A_550] : memref<100000x128xf32, #tpu.memory_space<hbm>> -> memref<100000x128xf32, #tpu.memory_space<hbm>>
    tpu.wait_indirect_dma semaphore(%arg15 : memref<!tpu.dma_semaphore, #tpu.memory_space<semaphore_mem>>) src(%dma_wait3A_551 : memref<100000x128xf32, #tpu.memory_space<hbm>>) dst(%arg9 : memref<128x128xf32, #tpu.memory_space<vmem>>)
    %add3A_552 = arith.constant 2688 : i32
    %add3A_553 = arith.addi %mul3A_2, %add3A_552 : i32
    %multiple_of3A_554 = tpu.assume_multiple %add3A_553, 8 : i32
    %dma_start3A_555 = arith.constant 0 : i32
    %dma_start3A_556 = tpu.memref_slice %arg4[%multiple_of3A_554, %dma_start3A_555] : memref<102400x128xf32, #tpu.memory_space<hbm>> -> memref<128x128xf32, #tpu.memory_space<hbm>>
    %dma_start3A_557 = arith.constant 0 : i32
    %dma_start3A_558 = tpu.memref_slice %arg4[%multiple_of3A_554, %dma_start3A_557] : memref<102400x128xf32, #tpu.memory_space<hbm>> -> memref<128x128xf32, #tpu.memory_space<hbm>>
    tpu.enqueue_dma source(%arg9 : memref<128x128xf32, #tpu.memory_space<vmem>>) target(%dma_start3A_558 : memref<128x128xf32, #tpu.memory_space<hbm>>) target_semaphore(%arg21 : memref<!tpu.dma_semaphore, #tpu.memory_space<semaphore_mem>>)
    %dma_wait3A_559 = arith.constant 22 : i32
    %dma_wait3A_560 = arith.constant 0 : i32
    %dma_wait3A_561 = tpu.memref_slice %arg5[%dma_wait3A_559, %dma_wait3A_560] : memref<25x128xi32, #tpu.memory_space<vmem>> -> memref<1x128xi32, #tpu.memory_space<vmem>>
    %dma_wait3A_562 = tpu.memref_squeeze %dma_wait3A_561 : memref<1x128xi32, #tpu.memory_space<vmem>> -> memref<128xi32, #tpu.memory_space<vmem>>
    %dma_wait3A_563 = arith.constant 0 : i32
    %dma_wait3A_564 = arith.constant 0 : i32
    %dma_wait3A_565 = tpu.memref_slice %arg2[%dma_wait3A_563, %dma_wait3A_564] : memref<100000x128xf32, #tpu.memory_space<hbm>> -> memref<100000x128xf32, #tpu.memory_space<hbm>>
    tpu.wait_indirect_dma semaphore(%arg16 : memref<!tpu.dma_semaphore, #tpu.memory_space<semaphore_mem>>) src(%dma_wait3A_565 : memref<100000x128xf32, #tpu.memory_space<hbm>>) dst(%arg10 : memref<128x128xf32, #tpu.memory_space<vmem>>)
    %add3A_566 = arith.constant 2816 : i32
    %add3A_567 = arith.addi %mul3A_2, %add3A_566 : i32
    %multiple_of3A_568 = tpu.assume_multiple %add3A_567, 8 : i32
    %dma_start3A_569 = arith.constant 0 : i32
    %dma_start3A_570 = tpu.memref_slice %arg4[%multiple_of3A_568, %dma_start3A_569] : memref<102400x128xf32, #tpu.memory_space<hbm>> -> memref<128x128xf32, #tpu.memory_space<hbm>>
    %dma_start3A_571 = arith.constant 0 : i32
    %dma_start3A_572 = tpu.memref_slice %arg4[%multiple_of3A_568, %dma_start3A_571] : memref<102400x128xf32, #tpu.memory_space<hbm>> -> memref<128x128xf32, #tpu.memory_space<hbm>>
    tpu.enqueue_dma source(%arg10 : memref<128x128xf32, #tpu.memory_space<vmem>>) target(%dma_start3A_572 : memref<128x128xf32, #tpu.memory_space<hbm>>) target_semaphore(%arg22 : memref<!tpu.dma_semaphore, #tpu.memory_space<semaphore_mem>>)
    %dma_wait3A_573 = arith.constant 23 : i32
    %dma_wait3A_574 = arith.constant 0 : i32
    %dma_wait3A_575 = tpu.memref_slice %arg5[%dma_wait3A_573, %dma_wait3A_574] : memref<25x128xi32, #tpu.memory_space<vmem>> -> memref<1x128xi32, #tpu.memory_space<vmem>>
    %dma_wait3A_576 = tpu.memref_squeeze %dma_wait3A_575 : memref<1x128xi32, #tpu.memory_space<vmem>> -> memref<128xi32, #tpu.memory_space<vmem>>
    %dma_wait3A_577 = arith.constant 0 : i32
    %dma_wait3A_578 = arith.constant 0 : i32
    %dma_wait3A_579 = tpu.memref_slice %arg2[%dma_wait3A_577, %dma_wait3A_578] : memref<100000x128xf32, #tpu.memory_space<hbm>> -> memref<100000x128xf32, #tpu.memory_space<hbm>>
    tpu.wait_indirect_dma semaphore(%arg17 : memref<!tpu.dma_semaphore, #tpu.memory_space<semaphore_mem>>) src(%dma_wait3A_579 : memref<100000x128xf32, #tpu.memory_space<hbm>>) dst(%arg11 : memref<128x128xf32, #tpu.memory_space<vmem>>)
    %add3A_580 = arith.constant 2944 : i32
    %add3A_581 = arith.addi %mul3A_2, %add3A_580 : i32
    %multiple_of3A_582 = tpu.assume_multiple %add3A_581, 8 : i32
    %dma_start3A_583 = arith.constant 0 : i32
    %dma_start3A_584 = tpu.memref_slice %arg4[%multiple_of3A_582, %dma_start3A_583] : memref<102400x128xf32, #tpu.memory_space<hbm>> -> memref<128x128xf32, #tpu.memory_space<hbm>>
    %dma_start3A_585 = arith.constant 0 : i32
    %dma_start3A_586 = tpu.memref_slice %arg4[%multiple_of3A_582, %dma_start3A_585] : memref<102400x128xf32, #tpu.memory_space<hbm>> -> memref<128x128xf32, #tpu.memory_space<hbm>>
    tpu.enqueue_dma source(%arg11 : memref<128x128xf32, #tpu.memory_space<vmem>>) target(%dma_start3A_586 : memref<128x128xf32, #tpu.memory_space<hbm>>) target_semaphore(%arg23 : memref<!tpu.dma_semaphore, #tpu.memory_space<semaphore_mem>>)
    %dma_wait3A_587 = arith.constant 24 : i32
    %dma_wait3A_588 = arith.constant 0 : i32
    %dma_wait3A_589 = tpu.memref_slice %arg5[%dma_wait3A_587, %dma_wait3A_588] : memref<25x128xi32, #tpu.memory_space<vmem>> -> memref<1x128xi32, #tpu.memory_space<vmem>>
    %dma_wait3A_590 = tpu.memref_squeeze %dma_wait3A_589 : memref<1x128xi32, #tpu.memory_space<vmem>> -> memref<128xi32, #tpu.memory_space<vmem>>
    %dma_wait3A_591 = arith.constant 0 : i32
    %dma_wait3A_592 = arith.constant 0 : i32
    %dma_wait3A_593 = tpu.memref_slice %arg2[%dma_wait3A_591, %dma_wait3A_592] : memref<100000x128xf32, #tpu.memory_space<hbm>> -> memref<100000x128xf32, #tpu.memory_space<hbm>>
    tpu.wait_indirect_dma semaphore(%arg12 : memref<!tpu.dma_semaphore, #tpu.memory_space<semaphore_mem>>) src(%dma_wait3A_593 : memref<100000x128xf32, #tpu.memory_space<hbm>>) dst(%arg6 : memref<128x128xf32, #tpu.memory_space<vmem>>)
    %add3A_594 = arith.constant 3072 : i32
    %add3A_595 = arith.addi %mul3A_2, %add3A_594 : i32
    %multiple_of3A_596 = tpu.assume_multiple %add3A_595, 8 : i32
    %dma_start3A_597 = arith.constant 0 : i32
    %dma_start3A_598 = tpu.memref_slice %arg4[%multiple_of3A_596, %dma_start3A_597] : memref<102400x128xf32, #tpu.memory_space<hbm>> -> memref<128x128xf32, #tpu.memory_space<hbm>>
    %dma_start3A_599 = arith.constant 0 : i32
    %dma_start3A_600 = tpu.memref_slice %arg4[%multiple_of3A_596, %dma_start3A_599] : memref<102400x128xf32, #tpu.memory_space<hbm>> -> memref<128x128xf32, #tpu.memory_space<hbm>>
    tpu.enqueue_dma source(%arg6 : memref<128x128xf32, #tpu.memory_space<vmem>>) target(%dma_start3A_600 : memref<128x128xf32, #tpu.memory_space<hbm>>) target_semaphore(%arg18 : memref<!tpu.dma_semaphore, #tpu.memory_space<semaphore_mem>>)
    %dma_wait3A_601 = arith.constant 0 : i32
    %dma_wait3A_602 = tpu.memref_slice %arg4[%multiple_of3A_596, %dma_wait3A_601] : memref<102400x128xf32, #tpu.memory_space<hbm>> -> memref<128x128xf32, #tpu.memory_space<hbm>>
    %dma_wait3A_603 = arith.constant 0 : i32
    %dma_wait3A_604 = tpu.memref_slice %arg4[%multiple_of3A_596, %dma_wait3A_603] : memref<102400x128xf32, #tpu.memory_space<hbm>> -> memref<128x128xf32, #tpu.memory_space<hbm>>
    tpu.wait_dma2 semaphore(%arg18 : memref<!tpu.dma_semaphore, #tpu.memory_space<semaphore_mem>>) src(%arg6 : memref<128x128xf32, #tpu.memory_space<vmem>>) dst(%dma_wait3A_604 : memref<128x128xf32, #tpu.memory_space<hbm>>)
    %dma_wait3A_605 = arith.constant 0 : i32
    %dma_wait3A_606 = tpu.memref_slice %arg4[%multiple_of3A_515, %dma_wait3A_605] : memref<102400x128xf32, #tpu.memory_space<hbm>> -> memref<128x128xf32, #tpu.memory_space<hbm>>
    %dma_wait3A_607 = arith.constant 0 : i32
    %dma_wait3A_608 = tpu.memref_slice %arg4[%multiple_of3A_515, %dma_wait3A_607] : memref<102400x128xf32, #tpu.memory_space<hbm>> -> memref<128x128xf32, #tpu.memory_space<hbm>>
    tpu.wait_dma2 semaphore(%arg19 : memref<!tpu.dma_semaphore, #tpu.memory_space<semaphore_mem>>) src(%arg7 : memref<128x128xf32, #tpu.memory_space<vmem>>) dst(%dma_wait3A_608 : memref<128x128xf32, #tpu.memory_space<hbm>>)
    %dma_wait3A_609 = arith.constant 0 : i32
    %dma_wait3A_610 = tpu.memref_slice %arg4[%multiple_of3A_540, %dma_wait3A_609] : memref<102400x128xf32, #tpu.memory_space<hbm>> -> memref<128x128xf32, #tpu.memory_space<hbm>>
    %dma_wait3A_611 = arith.constant 0 : i32
    %dma_wait3A_612 = tpu.memref_slice %arg4[%multiple_of3A_540, %dma_wait3A_611] : memref<102400x128xf32, #tpu.memory_space<hbm>> -> memref<128x128xf32, #tpu.memory_space<hbm>>
    tpu.wait_dma2 semaphore(%arg20 : memref<!tpu.dma_semaphore, #tpu.memory_space<semaphore_mem>>) src(%arg8 : memref<128x128xf32, #tpu.memory_space<vmem>>) dst(%dma_wait3A_612 : memref<128x128xf32, #tpu.memory_space<hbm>>)
    %dma_wait3A_613 = arith.constant 0 : i32
    %dma_wait3A_614 = tpu.memref_slice %arg4[%multiple_of3A_554, %dma_wait3A_613] : memref<102400x128xf32, #tpu.memory_space<hbm>> -> memref<128x128xf32, #tpu.memory_space<hbm>>
    %dma_wait3A_615 = arith.constant 0 : i32
    %dma_wait3A_616 = tpu.memref_slice %arg4[%multiple_of3A_554, %dma_wait3A_615] : memref<102400x128xf32, #tpu.memory_space<hbm>> -> memref<128x128xf32, #tpu.memory_space<hbm>>
    tpu.wait_dma2 semaphore(%arg21 : memref<!tpu.dma_semaphore, #tpu.memory_space<semaphore_mem>>) src(%arg9 : memref<128x128xf32, #tpu.memory_space<vmem>>) dst(%dma_wait3A_616 : memref<128x128xf32, #tpu.memory_space<hbm>>)
    %dma_wait3A_617 = arith.constant 0 : i32
    %dma_wait3A_618 = tpu.memref_slice %arg4[%multiple_of3A_568, %dma_wait3A_617] : memref<102400x128xf32, #tpu.memory_space<hbm>> -> memref<128x128xf32, #tpu.memory_space<hbm>>
    %dma_wait3A_619 = arith.constant 0 : i32
    %dma_wait3A_620 = tpu.memref_slice %arg4[%multiple_of3A_568, %dma_wait3A_619] : memref<102400x128xf32, #tpu.memory_space<hbm>> -> memref<128x128xf32, #tpu.memory_space<hbm>>
    tpu.wait_dma2 semaphore(%arg22 : memref<!tpu.dma_semaphore, #tpu.memory_space<semaphore_mem>>) src(%arg10 : memref<128x128xf32, #tpu.memory_space<vmem>>) dst(%dma_wait3A_620 : memref<128x128xf32, #tpu.memory_space<hbm>>)
    %dma_wait3A_621 = arith.constant 0 : i32
    %dma_wait3A_622 = tpu.memref_slice %arg4[%multiple_of3A_582, %dma_wait3A_621] : memref<102400x128xf32, #tpu.memory_space<hbm>> -> memref<128x128xf32, #tpu.memory_space<hbm>>
    %dma_wait3A_623 = arith.constant 0 : i32
    %dma_wait3A_624 = tpu.memref_slice %arg4[%multiple_of3A_582, %dma_wait3A_623] : memref<102400x128xf32, #tpu.memory_space<hbm>> -> memref<128x128xf32, #tpu.memory_space<hbm>>
    tpu.wait_dma2 semaphore(%arg23 : memref<!tpu.dma_semaphore, #tpu.memory_space<semaphore_mem>>) src(%arg11 : memref<128x128xf32, #tpu.memory_space<vmem>>) dst(%dma_wait3A_624 : memref<128x128xf32, #tpu.memory_space<hbm>>)
    return
  }
}

module attributes {stable_mosaic.version = 14 : i64} {
  func.func @_mlp_max_body(%arg0: i32, %arg1: memref<4000x128xf32, #tpu.memory_space<vmem>>, %arg2: memref<4000x128xf32, #tpu.memory_space<vmem>>, %arg3: memref<128x128xf32, #tpu.memory_space<vmem>>, %arg4: memref<1x128xf32, #tpu.memory_space<vmem>>, %arg5: memref<128x128xf32, #tpu.memory_space<vmem>>, %arg6: memref<1x128xf32, #tpu.memory_space<vmem>>, %arg7: memref<4000x128xf32, #tpu.memory_space<vmem>>) attributes {dimension_semantics = [#tpu.dimension_semantics<arbitrary>], iteration_bounds = array<i64: 25>, scalar_prefetch = 0 : i64, scratch_operands = 0 : i64, tpu.core_type = #tpu.core_type<tc>, window_params = [{transform_indices = @transform_0, window_bounds = array<i64: 4000, 128>}, {transform_indices = @transform_1, window_bounds = array<i64: 4000, 128>}, {pipeline_mode = #tpu.pipeline_mode<synchronous>, transform_indices = @transform_2, window_bounds = array<i64: 128, 128>}, {pipeline_mode = #tpu.pipeline_mode<synchronous>, transform_indices = @transform_3, window_bounds = array<i64: 1, 128>}, {pipeline_mode = #tpu.pipeline_mode<synchronous>, transform_indices = @transform_4, window_bounds = array<i64: 128, 128>}, {pipeline_mode = #tpu.pipeline_mode<synchronous>, transform_indices = @transform_5, window_bounds = array<i64: 1, 128>}, {transform_indices = @transform_6, window_bounds = array<i64: 4000, 128>}]} {
    %get3A = arith.constant 0 : index
    %get3A_0 = arith.constant 0 : index
    %get3A_1 = vector.load %arg1[%get3A, %get3A_0] : memref<4000x128xf32, #tpu.memory_space<vmem>>, vector<4000x128xf32>
    %get3A_2 = arith.constant 0 : index
    %get3A_3 = arith.constant 0 : index
    %get3A_4 = vector.load %arg3[%get3A_2, %get3A_3] : memref<128x128xf32, #tpu.memory_space<vmem>>, vector<128x128xf32>
    %dot_general3A = arith.constant dense<0.000000e+00> : vector<4000x128xf32>
    %dot_general3A_5 = tpu.matmul %get3A_1, %get3A_4, %dot_general3A {dimension_numbers = #tpu.dot_dimension_numbers<[1], [0], [0], [1], [0, 0, 1, 1], [], []>, transpose_lhs_hint = false} : vector<4000x128xf32>, vector<128x128xf32>, vector<4000x128xf32> -> vector<4000x128xf32>
    %get3A_6 = arith.constant 0 : index
    %get3A_7 = arith.constant 0 : index
    %get3A_8 = vector.load %arg4[%get3A_6, %get3A_7] : memref<1x128xf32, #tpu.memory_space<vmem>>, vector<1x128xf32>
    %add3A = vector.broadcast %get3A_8 : vector<1x128xf32> to vector<4000x128xf32>
    %add3A_9 = arith.addf %dot_general3A_5, %add3A : vector<4000x128xf32>
    %gt3A = arith.constant 0.000000e+00 : f32
    %gt3A_10 = vector.broadcast %gt3A : f32 to vector<4000x128xf32>
    %gt3A_11 = arith.cmpf ogt, %add3A_9, %gt3A_10 : vector<4000x128xf32>
    %exp3A = math.exp %add3A_9 : vector<4000x128xf32>
    %sub3A = arith.constant 1.000000e+00 : f32
    %sub3A_12 = vector.broadcast %sub3A : f32 to vector<4000x128xf32>
    %sub3A_13 = arith.subf %exp3A, %sub3A_12 : vector<4000x128xf32>
    %select_n3A = arith.select %gt3A_11, %add3A_9, %sub3A_13 : vector<4000x128xi1>, vector<4000x128xf32>
    %get3A_14 = arith.constant 0 : index
    %get3A_15 = arith.constant 0 : index
    %get3A_16 = vector.load %arg5[%get3A_14, %get3A_15] : memref<128x128xf32, #tpu.memory_space<vmem>>, vector<128x128xf32>
    %dot_general3A_17 = arith.constant dense<0.000000e+00> : vector<4000x128xf32>
    %dot_general3A_18 = tpu.matmul %select_n3A, %get3A_16, %dot_general3A_17 {dimension_numbers = #tpu.dot_dimension_numbers<[1], [0], [0], [1], [0, 0, 1, 1], [], []>, transpose_lhs_hint = false} : vector<4000x128xf32>, vector<128x128xf32>, vector<4000x128xf32> -> vector<4000x128xf32>
    %get3A_19 = arith.constant 0 : index
    %get3A_20 = arith.constant 0 : index
    %get3A_21 = vector.load %arg6[%get3A_19, %get3A_20] : memref<1x128xf32, #tpu.memory_space<vmem>>, vector<1x128xf32>
    %add3A_22 = vector.broadcast %get3A_21 : vector<1x128xf32> to vector<4000x128xf32>
    %add3A_23 = arith.addf %dot_general3A_18, %add3A_22 : vector<4000x128xf32>
    %gt3A_24 = arith.constant 0.000000e+00 : f32
    %gt3A_25 = vector.broadcast %gt3A_24 : f32 to vector<4000x128xf32>
    %gt3A_26 = arith.cmpf ogt, %add3A_23, %gt3A_25 : vector<4000x128xf32>
    %exp3A_27 = math.exp %add3A_23 : vector<4000x128xf32>
    %sub3A_28 = arith.constant 1.000000e+00 : f32
    %sub3A_29 = vector.broadcast %sub3A_28 : f32 to vector<4000x128xf32>
    %sub3A_30 = arith.subf %exp3A_27, %sub3A_29 : vector<4000x128xf32>
    %select_n3A_31 = arith.select %gt3A_26, %add3A_23, %sub3A_30 : vector<4000x128xi1>, vector<4000x128xf32>
    %get3A_32 = arith.constant 0 : index
    %get3A_33 = arith.constant 0 : index
    %get3A_34 = vector.load %arg2[%get3A_32, %get3A_33] : memref<4000x128xf32, #tpu.memory_space<vmem>>, vector<4000x128xf32>
    %get3A_35 = arith.constant 0 : index
    %get3A_36 = arith.constant 0 : index
    %get3A_37 = vector.load %arg3[%get3A_35, %get3A_36] : memref<128x128xf32, #tpu.memory_space<vmem>>, vector<128x128xf32>
    %dot_general3A_38 = arith.constant dense<0.000000e+00> : vector<4000x128xf32>
    %dot_general3A_39 = tpu.matmul %get3A_34, %get3A_37, %dot_general3A_38 {dimension_numbers = #tpu.dot_dimension_numbers<[1], [0], [0], [1], [0, 0, 1, 1], [], []>, transpose_lhs_hint = false} : vector<4000x128xf32>, vector<128x128xf32>, vector<4000x128xf32> -> vector<4000x128xf32>
    %get3A_40 = arith.constant 0 : index
    %get3A_41 = arith.constant 0 : index
    %get3A_42 = vector.load %arg4[%get3A_40, %get3A_41] : memref<1x128xf32, #tpu.memory_space<vmem>>, vector<1x128xf32>
    %add3A_43 = vector.broadcast %get3A_42 : vector<1x128xf32> to vector<4000x128xf32>
    %add3A_44 = arith.addf %dot_general3A_39, %add3A_43 : vector<4000x128xf32>
    %gt3A_45 = arith.constant 0.000000e+00 : f32
    %gt3A_46 = vector.broadcast %gt3A_45 : f32 to vector<4000x128xf32>
    %gt3A_47 = arith.cmpf ogt, %add3A_44, %gt3A_46 : vector<4000x128xf32>
    %exp3A_48 = math.exp %add3A_44 : vector<4000x128xf32>
    %sub3A_49 = arith.constant 1.000000e+00 : f32
    %sub3A_50 = vector.broadcast %sub3A_49 : f32 to vector<4000x128xf32>
    %sub3A_51 = arith.subf %exp3A_48, %sub3A_50 : vector<4000x128xf32>
    %select_n3A_52 = arith.select %gt3A_47, %add3A_44, %sub3A_51 : vector<4000x128xi1>, vector<4000x128xf32>
    %get3A_53 = arith.constant 0 : index
    %get3A_54 = arith.constant 0 : index
    %get3A_55 = vector.load %arg5[%get3A_53, %get3A_54] : memref<128x128xf32, #tpu.memory_space<vmem>>, vector<128x128xf32>
    %dot_general3A_56 = arith.constant dense<0.000000e+00> : vector<4000x128xf32>
    %dot_general3A_57 = tpu.matmul %select_n3A_52, %get3A_55, %dot_general3A_56 {dimension_numbers = #tpu.dot_dimension_numbers<[1], [0], [0], [1], [0, 0, 1, 1], [], []>, transpose_lhs_hint = false} : vector<4000x128xf32>, vector<128x128xf32>, vector<4000x128xf32> -> vector<4000x128xf32>
    %get3A_58 = arith.constant 0 : index
    %get3A_59 = arith.constant 0 : index
    %get3A_60 = vector.load %arg6[%get3A_58, %get3A_59] : memref<1x128xf32, #tpu.memory_space<vmem>>, vector<1x128xf32>
    %add3A_61 = vector.broadcast %get3A_60 : vector<1x128xf32> to vector<4000x128xf32>
    %add3A_62 = arith.addf %dot_general3A_57, %add3A_61 : vector<4000x128xf32>
    %gt3A_63 = arith.constant 0.000000e+00 : f32
    %gt3A_64 = vector.broadcast %gt3A_63 : f32 to vector<4000x128xf32>
    %gt3A_65 = arith.cmpf ogt, %add3A_62, %gt3A_64 : vector<4000x128xf32>
    %exp3A_66 = math.exp %add3A_62 : vector<4000x128xf32>
    %sub3A_67 = arith.constant 1.000000e+00 : f32
    %sub3A_68 = vector.broadcast %sub3A_67 : f32 to vector<4000x128xf32>
    %sub3A_69 = arith.subf %exp3A_66, %sub3A_68 : vector<4000x128xf32>
    %select_n3A_70 = arith.select %gt3A_65, %add3A_62, %sub3A_69 : vector<4000x128xi1>, vector<4000x128xf32>
    %max3A = arith.maximumf %select_n3A_31, %select_n3A_70 : vector<4000x128xf32>
    %swap3A = arith.constant 0 : index
    %swap3A_71 = arith.constant 0 : index
    %swap3A_72 = vector.load %arg7[%swap3A, %swap3A_71] : memref<4000x128xf32, #tpu.memory_space<vmem>>, vector<4000x128xf32>
    tpu.vector_store %arg7[%swap3A, %swap3A_71], %max3A {strides = array<i32>} : memref<4000x128xf32, #tpu.memory_space<vmem>>, vector<4000x128xf32>,
    return
  }
  func.func @transform_0(%arg0: i32) -> (i32, i32) {
    %c0_i32 = arith.constant 0 : i32
    %c0_i32_0 = arith.constant 0 : i32
    return %arg0, %c0_i32 : i32, i32
  }
  func.func @transform_1(%arg0: i32) -> (i32, i32) {
    %c0_i32 = arith.constant 0 : i32
    %c0_i32_0 = arith.constant 0 : i32
    return %arg0, %c0_i32 : i32, i32
  }
  func.func @transform_2(%arg0: i32) -> (i32, i32) {
    %c0_i32 = arith.constant 0 : i32
    %c0_i32_0 = arith.constant 0 : i32
    %c0_i32_1 = arith.constant 0 : i32
    return %c0_i32, %c0_i32_0 : i32, i32
  }
  func.func @transform_3(%arg0: i32) -> (i32, i32) {
    %c0_i32 = arith.constant 0 : i32
    %c0_i32_0 = arith.constant 0 : i32
    %c0_i32_1 = arith.constant 0 : i32
    return %c0_i32, %c0_i32_0 : i32, i32
  }
  func.func @transform_4(%arg0: i32) -> (i32, i32) {
    %c0_i32 = arith.constant 0 : i32
    %c0_i32_0 = arith.constant 0 : i32
    %c0_i32_1 = arith.constant 0 : i32
    return %c0_i32, %c0_i32_0 : i32, i32
  }
  func.func @transform_5(%arg0: i32) -> (i32, i32) {
    %c0_i32 = arith.constant 0 : i32
    %c0_i32_0 = arith.constant 0 : i32
    %c0_i32_1 = arith.constant 0 : i32
    return %c0_i32, %c0_i32_0 : i32, i32
  }
  func.func @transform_6(%arg0: i32) -> (i32, i32) {
    %c0_i32 = arith.constant 0 : i32
    %c0_i32_0 = arith.constant 0 : i32
    return %arg0, %c0_i32 : i32, i32
  }
}

</mosaic_0001>

<sc_bundles>
// kernel: kernel.4.cloned.1.call-start
scs
__scs_entry_jumppad:
0x0: {  	(pc) =	sbr.rel $0x88, $3  }
0x1: {  	(tag) =	ssettag $0x0;
	lr =	simm.s32 $0x1  }
0x2: {  	[smem:$0x3F9B] =	sst lr;
	_ =	strace $0xD0000000  }
0x3: {  	_ = 	snop  }
0x4: {  	_ = 	snop  }
0x5: {  	_ = 	snop  }
0x6: {  	_ = 	snop  }
0x7: {  	_ = 	snop  }
__scs_overlays_trampoline_lowered:
0x8: {  	[smem:$0x3FAA] =	sst s0  }
0x9: {  	[smem:$0x3FAB] =	sst s1  }
0xa: {  	[smem:$0x3FAC] =	sst s2  }
0xb: {  	[smem:$0x3FAD] =	sst s3  }
0xc: {  	[smem:$0x3FAE] =	sst s4  }
0xd: {  	[smem:$0x3FAF] =	sst s5  }
0xe: {  	[smem:$0x3FB0] =	sst s6  }
0xf: {  	[smem:$0x3FB1] =	sst s7  }
0x10: {  	[smem:$0x3FB2] =	sst s8  }
0x11: {  	[smem:$0x3FB3] =	sst s9;
	s0 =	simm.s32 @!p0 $0x0  }
0x12: {  	s1 =	sld [smem:$0x3F99];
	s0 =	simm.s32 @p0 $0x1  }
0x13: {  	[smem:$0x3FB4] =	sst s0;
	s0 =	simm.s32 @!p1 $0x0  }
0x14: {  	s2 =	sld [smem:$0x3F98];
	s0 =	simm.s32 @p1 $0x1  }
0x15: {  	[smem:$0x3FB5] =	sst s0;
	s0 =	simm.s32 @!p2 $0x0  }
0x16: {  	s3 =	sld [smem:$0x3FDB];
	s0 =	simm.s32 @p2 $0x1  }
0x17: {  	s4 =	simm.s32 $0x1BF5;
	[smem:$0x3FB7] =	sst s0  }
0x18: {  	s0 =	sld [smem:$0x3F9A];
	_ =	swait.ge [sflag:s4], $0x0  }
0x19: {  	s7 =	sld [smem:$0x3F9B]  }
0x1a: {  	s8 =	sadd.s32 $0xFFFFE003, lr  }
0x1b: {  	s9 =	sadd.s32 $0xFFFFFEF7, lr;
	s5 =	simm.s32 $0xFFFFFFFF;
	p2 =	slt.u32 s8, $0xFFFFF086  }
0x1c: {  	p1 =	slt.u32 s9, $0xF7A;
	s5 =	simm.s32 @!p2 $0x0  }
0x1d: {  	s5 =	simm.s32 @p1 $0x1;
	p0 =	seq.s32 s7, s2  }
0x1e: {  	s7 =	smul.u32 @!p0 $0xF7A, s2;
	p2 =	seq.s32 @!p0 s5, $0x0  }
0x1f: {  	s9 =	smul.u32 $0xF7A, s1;
	s8 =	simm.s32 @!p0 $0x1BF5;
	p2 =	por !p2, p0  }
0x20: {  	[sflag:s8] =	ssyncset.s32 @!p0 $0xFFFFF086;
	s6 =	sadd.s32 @!p0 s3, s7;
	s7 =	simm.s32 @!p0 $0x108  }
0x21: {  	s3 =	sadd.s32 s3, s9;
	s6 =	sadd.s32 @!p0 $0x88, s6;
	s7 =	simm.s32 @p2 $0x1082  }
0x22: {  	[simem:s7], [sflag:s8] =	dma.local @!p0 [hbm:s6], $0xF7A  }
0x23: {  	s9 =	sor.u32 $0xD0000000, s2;
	s6 =	simm.s32 $0x108;
	_ =	swait.ge @!p0 [sflag:s8], $0x0  }
0x24: {  	s3 =	sadd.s32 $0x88, s3;
	s6 =	simm.s32 @!p1 $0x1082;
	[sflag:s4] =	ssyncset.s32 $0xFFFFF086  }
0x25: {  	[simem:s6], [sflag:s4] =	dma.local [hbm:s3], $0xF7A  }
0x26: {  	[smem:$0x3F9B] =	sst s1;
	(tag) =	ssettag s2;
	_ =	strace s9  }
0x27: {  	s1 =	sld [smem:$0x3FAB]  }
0x28: {  	s2 =	sld [smem:$0x3FAC]  }
0x29: {  	s4 =	sld [smem:$0x3FAE]  }
0x2a: {  	p0 =	seq.s32 s5, $0x0;
	s5 =	sld [smem:$0x3FAF]  }
0x2b: {  	s6 =	sld [smem:$0x3FB0]  }
0x2c: {  	s7 =	sld [smem:$0x3FB1]  }
0x2d: {  	s3 =	simm.s32 $0x108;
	s8 =	sld [smem:$0x3FB2]  }
0x2e: {  	s3 =	simm.s32 @!p0 $0x1082;
	s9 =	sld [smem:$0x3FB3]  }
0x2f: {  	lr =	sadd.s32 s0, s3;
	s0 =	sld [smem:$0x3FAA]  }
0x30: {  	s3 =	sld [smem:$0x3FAD]  }
0x31: {  	[smem:$0x3FB6] =	sst s10  }
0x32: {  	s10 =	sld [smem:$0x3FB4];
	_ =	sdelay $0x3  }
0x33: {  	p0 =	seq.s32 s10, $0x1;
	s10 =	sld [smem:$0x3FB6];
	_ =	sdelay $0x3  }
0x34: {  	[smem:$0x3FB6] =	sst s10  }
0x35: {  	s10 =	sld [smem:$0x3FB5];
	_ =	sdelay $0x3  }
0x36: {  	p1 =	seq.s32 s10, $0x1;
	s10 =	sld [smem:$0x3FB6];
	_ =	sdelay $0x3  }
0x37: {  	[smem:$0x3FB6] =	sst s10  }
0x38: {  	s10 =	sld [smem:$0x3FB7]  }
0x39: {  	_ = 	snop;
	(pc) =	sbr.ind lr, $3  }
0x3a: {  	_ = 	snop  }
0x3b: {  	_ = 	snop  }
0x3c: {  	p2 =	seq.s32 s10, $0x1;
	s10 =	sld [smem:$0x3FB6]  }
0x3d: {  	_ =	shalt  }
0x3e: {  	_ =	shalt  }
0x3f: {  	_ =	shalt  }
0x40: {  	_ =	shalt  }
0x41: {  	_ =	shalt  }
0x42: {  	_ =	shalt  }
0x43: {  	_ =	shalt  }
0x44: {  	_ =	shalt  }
0x45: {  	_ =	shalt  }
0x46: {  	_ =	shalt  }
0x47: {  	_ =	shalt  }
0x48: {  	_ =	shalt  }
0x49: {  	_ =	shalt  }
0x4a: {  	_ =	shalt  }
0x4b: {  	_ =	shalt  }
0x4c: {  	_ =	shalt  }
0x4d: {  	_ =	shalt  }
0x4e: {  	_ =	shalt  }
0x4f: {  	_ =	shalt  }
0x50: {  	_ =	shalt  }
0x51: {  	_ =	shalt  }
0x52: {  	_ =	shalt  }
0x53: {  	_ =	shalt  }
0x54: {  	_ =	shalt  }
0x55: {  	_ =	shalt  }
0x56: {  	_ =	shalt  }
0x57: {  	_ =	shalt  }
0x58: {  	_ =	shalt  }
0x59: {  	_ =	shalt  }
0x5a: {  	_ =	shalt  }
0x5b: {  	_ =	shalt  }
0x5c: {  	_ =	shalt  }
0x5d: {  	_ =	shalt  }
0x5e: {  	_ =	shalt  }
0x5f: {  	_ =	shalt  }
0x60: {  	_ =	shalt  }
0x61: {  	_ =	shalt  }
0x62: {  	_ =	shalt  }
0x63: {  	_ =	shalt  }
0x64: {  	_ =	shalt  }
0x65: {  	_ =	shalt  }
0x66: {  	_ =	shalt  }
0x67: {  	_ =	shalt  }
0x68: {  	_ =	shalt  }
0x69: {  	_ =	shalt  }
0x6a: {  	_ =	shalt  }
0x6b: {  	_ =	shalt  }
0x6c: {  	_ =	shalt  }
0x6d: {  	_ =	shalt  }
0x6e: {  	_ =	shalt  }
0x6f: {  	_ =	shalt  }
0x70: {  	_ =	shalt  }
0x71: {  	_ =	shalt  }
0x72: {  	_ =	shalt  }
0x73: {  	_ =	shalt  }
0x74: {  	_ =	shalt  }
0x75: {  	_ =	shalt  }
0x76: {  	_ =	shalt  }
0x77: {  	_ =	shalt  }
0x78: {  	_ =	shalt  }
0x79: {  	_ =	shalt  }
0x7a: {  	_ =	shalt  }
0x7b: {  	_ =	shalt  }
0x7c: {  	_ =	shalt  }
0x7d: {  	_ =	shalt  }
0x7e: {  	_ =	shalt  }
0x7f: {  	_ =	shalt  }
0x80: {  	_ =	shalt  }
0x81: {  	_ =	shalt  }
0x82: {  	_ =	shalt  }
0x83: {  	_ =	shalt  }
0x84: {  	_ =	shalt  }
0x85: {  	_ =	shalt  }
0x86: {  	_ =	shalt  }
0x87: {  	_ =	shalt  }
.Lfunc_end0:
.L_simem_size_0:
called_computation_lowered:
.L_overlay_start_0:
0x88: {  	s2 =	sld [smem:$0x3FD9]  }
0x89: {  	s3 =	sld [smem:$0x3FFE];
	_ =	sdelay $0x1  }
0x8a: {  	s1 =	srdreg.scid  }
0x8b: {  	s0 =	sand.u32 $0x1, s1  }
0x8c: {  	s17 =	sshll.u32 s0, $0xA;
	s2 =	sadd.s32 s3, s2  }
0x8d: {  	s2 =	sadd.s32 s2, s17  }
0x8e: {  	[smem:$0x3FC2] =	sst s2  }
0x8f: {  	_ = 	snop  }
0x90: {  	s2 =	sld [smem:$0x3FC9]  }
0x91: {  	s18 =	sld [smem:$0x3FD0];
	(tm) =	ssettm $0x1  }
0x92: {  	s4 =	sld [smem:$0x3FFB];
	_ =	sdelay $0x3  }
0x93: {  	_ =	strace s4  }
0x94: {  	s4 =	sld [smem:$0x3FFC];
	_ =	sdelay $0x3  }
0x95: {  	_ =	strace s4  }
0x96: {  	s4 =	sld [smem:$0x3FFD];
	_ =	sdelay $0x3  }
0x97: {  	_ =	strace s4  }
0x98: {  	_ =	strace $0x8FFFFFFF  }
0x99: {  	s19 =	sld [smem:$0x3FDB];
	_ =	sdelay $0x1  }
0x9a: {  	s5 =	simm.s32 $_scs_section_size  }
0x9b: {  	s6 =	simm.s32 $_size__tile_overlayer_lowered;
	s7 =	simm.s32 $_tile_overlayer_lowered  }
0x9c: {  	s22 =	simm.s32 $0x1BFF;
	s21 =	sshll.u32 s7, $0x1;
	s4 =	sadd.s32 s5, s19  }
0x9d: {  	s8 =	simm.s32 $0x0;
	s20 =	sshll.u32 s6, $0x1;
	s6 =	sadd.s32 s21, s4  }
0x9e: {  	[timem:s8], [sflag:s22] =	dma.local [hbm:s6], s20  }
0x9f: {  	_ =	swait.ge [sflag:s22], s20  }
0xa0: {  	s5 =	ssub.s32 $0x0, s20;
	[sflag:s22] =	ssyncset.done $0x0  }
0xa1: {  	[sflag:s22] =	ssyncadd.s32 s5;
	_ =	sdelay $0x1  }
0xa2: {  	s23 =	simm.s32 $0x1B8B  }
0xa3: {  	_ =	swait.ge [sflag:s23], $0x1  }
0xa4: {  	[sflag:s23] =	ssyncset.done $0x0  }
0xa5: {  	s25 =	simm.s32 $0x1B8E;
	s24 =	sld [smem:$0x3FFE];
	[sflag:s23] =	ssyncadd.s32 $0xFFFFFFFF  }
0xa6: {  	s26 =	simm.s32 $execute0_lowered;
	[smem:$0x3FD2] =	sst s25  }
0xa7: {  	s6 =	sshll.u32 s26, $0x1;
	_ =	strace $0x80000046;
	[dreg:$0x1] =	wrdreg $0xFFFFFFFF  }
0xa8: {  	s28 =	simm.s32 $_size_execute0_lowered;
	s4 =	sadd.s32 s4, s6;
	[dreg:$0x0] =	wrdreg $0x0  }
0xa9: {  	s6 =	sshll.u32 s28, $0x1;
	[dreg:$0x2] =	wrdreg s4  }
0xaa: {  	[dreg:$0x3] =	wrdreg s6  }
0xab: {  	[dreg:$0x4] =	wrdreg $0xC0  }
0xac: {  	_ =	task [dreg:s8], $0x5FFFF  }
0xad: {  	[dreg:$0x1] =	wrdreg $0xFFFFFFFF  }
0xae: {  	[dreg:$0x0] =	wrdreg $0x60  }
0xaf: {  	[dreg:$0x2] =	wrdreg s2  }
0xb0: {  	[dreg:$0x3] =	wrdreg s18  }
0xb1: {  	[dreg:$0x4] =	wrdreg s24  }
0xb2: {  	[dreg:$0x5] =	wrdreg $0x9  }
0xb3: {  	_ =	task.clear_ibuf [dreg:s8], $0x6FFFF;
	_ =	strace $0x90000046  }
0xb4: {  	s29 =	simm.s32 $0x9;
	_ =	strace $0x80000048  }
0xb5: {  	_ =	swait.ge [sflag:s29], $0x1  }
0xb6: {  	[sflag:s29] =	ssyncadd.s32 $0xFFFFFFFF  }
0xb7: {  	_ =	strace $0x90000048  }
0xb8: {  	_ =	sfence  }
0xb9: {  	s30 =	sld [smem:$0x0];
	_ =	sdelay $0x2  }
0xba: {  	s31 =	sshll.u32 s1, $0xD;
	s1 =	sshrl.u32 s1, $0x2  }
0xbb: {  	s3 =	sand.u32 $0x4000, s31;
	s1 =	sadd.s32 s1, s30  }
0xbc: {  	s0 =	sor.u32 s3, s0;
	s1 =	sshll.u32 s1, $0x11  }
0xbd: {  	s0 =	sor.u32 s1, s0  }
0xbe: {  	s0 =	sadd.s32 $0x8F2B, s0  }
0xbf: {  	[sflag:s0] =	ssyncadd.remote.s32 $0x1  }
0xc0: {  	_ =	sfence.sel $0xFFFF  }
0xc1: {  	[dreg:$0x0] =	wrdreg $0xFFFFFFFF;
	(pc) =	sbr.abs _section_cstart, $3  }
0xc2: {  	[dreg:$0x1] =	wrdreg $0xFFFFFFFF  }
0xc3: {  	_ =	task.clear_ibuf [dreg:s8], $0x2FFFF;
	_ =	strace $0x9FFFFFFF  }
0xc4: {  	(tm) =	ssettm $0x7FFFFFFF  }
0xc5: {  	_ =	shalt  }
tec
execute0_lowered:
.L_overlay_start_1:
0x0: {  	(tag) =	ssettag $0x1  }
0x1: {  	s3 =	rddreg [dreg:$0x0]  }
0x2: {  	s1 =	srdreg.scid;
	s23 =	stileid.u32  }
0x3: {  	s0 =	rddreg [dreg:$0x1];
	s1 =	sand.u32 $0x1, s1;
	s5 =	sshll.u32 s23, $0x1  }
0x4: {  	s4 =	rddreg [dreg:$0x2];
	s2 =	simm.s32 $0x0;
	s5 =	sor.u32 s1, s5  }
0x5: {  	[smem:$0x7FF] =	sst s2;
	s6 =	smul.u32 $0x64000, s5  }
0x6: {  	s4 =	sadd.s32 $0x800, s4;
	s7 =	sshll.u32 s5, $0x9;
	s5 =	smul.u32 $0xC800, s5  }
0x7: {  	_ =	strace $0x80000047;
	s0 =	sadd.s32 s0, s7;
	s6 =	sshrl.u32 s6, $0x3  }
0x8: {  	[dreg:$0x4] =	wrdreg s0;
	s9 =	sadd.s32 s4, s5;
	s4 =	sadd.s32 s4, s6  }
0x9: {  	[dreg:$0x5] =	wrdreg s9;
	s10 =	sadd.s32 $0x800, s4  }
0xa: {  	s11 =	sadd.s32 $0x1000, s4;
	[dreg:$0x6] =	wrdreg s10  }
0xb: {  	s12 =	sadd.s32 $0x1800, s4;
	[dreg:$0x7] =	wrdreg s11  }
0xc: {  	s13 =	sadd.s32 $0x2000, s4;
	[dreg:$0x8] =	wrdreg s12  }
0xd: {  	s14 =	sadd.s32 $0x2800, s4;
	[dreg:$0x9] =	wrdreg s13  }
0xe: {  	s15 =	sadd.s32 $0x3000, s4;
	[dreg:$0xa] =	wrdreg s14  }
0xf: {  	s16 =	sadd.s32 $0x3800, s4;
	[dreg:$0xb] =	wrdreg s15  }
0x10: {  	s17 =	sadd.s32 $0x4000, s4;
	[dreg:$0xc] =	wrdreg s16  }
0x11: {  	s18 =	sadd.s32 $0x4800, s4;
	[dreg:$0xd] =	wrdreg s17  }
0x12: {  	s19 =	sadd.s32 $0x5000, s4;
	[dreg:$0xe] =	wrdreg s18  }
0x13: {  	s20 =	sadd.s32 $0x5800, s4;
	[dreg:$0xf] =	wrdreg s19  }
0x14: {  	s21 =	sadd.s32 $0x6000, s4;
	[dreg:$0x10] =	wrdreg s20  }
0x15: {  	s22 =	sadd.s32 $0x6800, s4;
	[dreg:$0x11] =	wrdreg s21  }
0x16: {  	s24 =	sadd.s32 $0x7000, s4;
	[dreg:$0x12] =	wrdreg s22  }
0x17: {  	s25 =	sadd.s32 $0x7800, s4;
	[dreg:$0x13] =	wrdreg s24  }
0x18: {  	s26 =	sadd.s32 $0x8000, s4;
	[dreg:$0x14] =	wrdreg s25  }
0x19: {  	s31 =	simm.s32 $0xD;
	s5 =	sadd.s32 $0x8800, s4;
	[dreg:$0x15] =	wrdreg s26  }
0x1a: {  	p0 =	por $0x0, $0x0;
	s6 =	sadd.s32 $0x9000, s4;
	[dreg:$0x16] =	wrdreg s5  }
0x1b: {  	s30 =	simm.s32 $0x980;
	s7 =	sadd.s32 $0x9800, s4;
	[dreg:$0x17] =	wrdreg s6  }
0x1c: {  	s29 =	simm.s32 $0xA00;
	s8 =	sadd.s32 $0xA000, s4;
	[dreg:$0x18] =	wrdreg s7  }
0x1d: {  	s28 =	simm.s32 $0xA80;
	s9 =	sadd.s32 $0xA800, s4;
	[dreg:$0x19] =	wrdreg s8  }
0x1e: {  	s1 =	ssub.s32 $0x2, s1;
	[dreg:$0x1a] =	wrdreg s9;
	s10 =	sadd.s32 $0xB000, s4  }
0x1f: {  	s11 =	sshrl.u32 s1, $0x1;
	s12 =	sadd.s32 $0xB800, s4;
	s13 =	sadd.s32 $0xC000, s4  }
0x20: {  	s14 =	simm.s32 $0x100;
	s4 =	simm.s32 $0x1000;
	[dreg:$0x1b] =	wrdreg s10  }
0x21: {  	s15 =	simm.s32 $0x180;
	s17 =	simm.s32 $0x5000;
	[dreg:$0x1c] =	wrdreg s12  }
0x22: {  	s16 =	simm.s32 $0x200;
	s9 =	simm.s32 $0x11000;
	[dreg:$0x1d] =	wrdreg s13  }
0x23: {  	s5 =	simm.s32 $0x1;
	s18 =	simm.s32 $0x280;
	[dreg:$0x1e] =	wrdreg s14  }
0x24: {  	s7 =	simm.s32 $0x15000;
	s19 =	simm.s32 $0x300;
	[dreg:$0x1f] =	wrdreg s15  }
0x25: {  	s21 =	simm.s32 $0x2;
	s20 =	simm.s32 $0x380;
	[smem:$0x7F0] =	sst s16  }
0x26: {  	s6 =	simm.s32 $0x7;
	s22 =	simm.s32 $0x400;
	[smem:$0x7F1] =	sst s18  }
0x27: {  	s24 =	simm.s32 $0x480;
	s8 =	simm.s32 $0x8;
	[smem:$0x7F2] =	sst s19  }
0x28: {  	s25 =	simm.s32 $0x500;
	s26 =	simm.s32 $0x580;
	[smem:$0x7F3] =	sst s20  }
0x29: {  	s1 =	ssub.s32 s1, s11;
	s12 =	simm.s32 $0x80;
	[smem:$0x7F4] =	sst s22  }
0x2a: {  	s14 =	simm.s32 $0x9000;
	s11 =	simm.s32 $0xD000;
	[smem:$0x7F5] =	sst s24  }
0x2b: {  	s18 =	simm.s32 $0x3;
	s19 =	simm.s32 $0x4;
	[smem:$0x7F6] =	sst s25  }
0x2c: {  	s10 =	simm.s32 $0x9;
	[smem:$0x7F7] =	sst s26;
	s13 =	simm.s32 $0x600  }
0x2d: {  	s20 =	simm.s32 $0x5;
	s15 =	simm.s32 $0x680;
	s16 =	simm.s32 $0x700  }
0x2e: {  	s22 =	simm.s32 $0x6;
	s0 =	smax.u32 s1, $0x1;
	[smem:$0x7F8] =	sst s13  }
0x2f: {  	s24 =	simm.s32 $0x780;
	[smem:$0x7F9] =	sst s15;
	p1 =	sne.s32 s0, $0x1  }
.Ltmp0:
0x30: {  	s25 =	simm.s32 $0x800;
	[smem:$0x7FA] =	sst s16;
	(pc) =	sbr.rel @!p1 .LBB2_1-.Ltmp0, $4  }
0x31: {  	s26 =	simm.s32 $0x880;
	s13 =	simm.s32 $0xA;
	[smem:$0x7FB] =	sst s24  }
0x32: {  	s15 =	simm.s32 $0xB;
	s16 =	simm.s32 $0xC;
	[smem:$0x7FC] =	sst s25  }
0x33: {  	[smem:$0x7FD] =	sst s26;
	s26 =	simm.s32 $0xB00;
	s25 =	simm.s32 $0xB80  }
0x34: {  	s24 =	simm.s32 $0xC00;
	s1 =	sadd.s32 $0xFFFFFFFF, s0;
	s0 =	rddreg [dreg:$0x4]  }
0x35: {  	[tilespmem:s2], [sflag:$0xD] =	stream.linear.gather [hbm4b:s0+s2], $0xC80, $0x38;
	[tilespmem:$0x19000] =	vst v63  }
0x36: {  	_ =	swait.ge [sflag:s31], $0xC80  }
0x37: {  	[sflag:s31] =	ssyncset.done $0x0  }
0x38: {  	[sflag:s31] =	ssyncadd.s32 $0xFFFFF380  }
0x39: {  	[tilespmem:s4], [sflag:$0x1] =	stream.indirect.gather [hbm4b:s3+s12], $0x80, s2, s12, $0xb8;
	[tilespmem:$0x19000] =	vst v63  }
0x3a: {  	s0 =	rddreg [dreg:$0x1e]  }
0x3b: {  	[tilespmem:s17], [sflag:$0x2] =	stream.indirect.gather [hbm4b:s3+s12], $0x80, s12, s12, $0xb8;
	[tilespmem:$0x19000] =	vst v63  }
0x3c: {  	s23 =	smov.u32 s1;
	s1 =	rddreg [dreg:$0x1f]  }
0x3d: {  	[tilespmem:s14], [sflag:$0x3] =	stream.indirect.gather [hbm4b:s3+s12], $0x80, s0, s12, $0xb8;
	[tilespmem:$0x19000] =	vst v63  }
0x3e: {  	s0 =	sld [smem:$0x7F0]  }
0x3f: {  	[tilespmem:s11], [sflag:$0x4] =	stream.indirect.gather [hbm4b:s3+s12], $0x80, s1, s12, $0xb8;
	[tilespmem:$0x19000] =	vst v63  }
0x40: {  	_ = 	snop  }
0x41: {  	[tilespmem:s9], [sflag:$0x5] =	stream.indirect.gather [hbm4b:s3+s12], $0x80, s0, s12, $0xb8;
	[tilespmem:$0x19000] =	vst v63  }
0x42: {  	_ =	swait.ge [sflag:s5], $0x4000  }
0x43: {  	s0 =	rddreg [dreg:$0x5];
	[sflag:s5] =	ssyncset.done $0x0  }
0x44: {  	s1 =	sld [smem:$0x7F1];
	[sflag:s5] =	ssyncadd.s32 $0xFFFFC000  }
0x45: {  	[hbm4b:s0+s2] =	stream.linear.scatter [tilespmem:s4], [sflag:$0x7], $0x4000, $0x38;
	[tilespmem:$0x19000] =	vst v63  }
0x46: {  	_ = 	snop  }
0x47: {  	[tilespmem:s7], [sflag:$0x6] =	stream.indirect.gather [hbm4b:s3+s12], $0x80, s1, s12, $0xb8;
	[tilespmem:$0x19000] =	vst v63  }
0x48: {  	_ =	swait.ge [sflag:s21], $0x4000  }
0x49: {  	[sflag:s21] =	ssyncset.done $0x0  }
0x4a: {  	s1 =	rddreg [dreg:$0x6];
	[sflag:s21] =	ssyncadd.s32 $0xFFFFC000  }
0x4b: {  	[hbm4b:s1+s2] =	stream.linear.scatter [tilespmem:s17], [sflag:$0x8], $0x4000, $0x38;
	[tilespmem:$0x19000] =	vst v63  }
0x4c: {  	_ =	swait.ge [sflag:s6], $0x4000  }
0x4d: {  	s1 =	sld [smem:$0x7F2]  }
0x4e: {  	[sflag:s6] =	ssyncset.done $0x0  }
0x4f: {  	[sflag:s6] =	ssyncadd.s32 $0xFFFFC000  }
0x50: {  	[tilespmem:s4], [sflag:$0x1] =	stream.indirect.gather [hbm4b:s3+s12], $0x80, s1, s12, $0xb8;
	[tilespmem:$0x19000] =	vst v63  }
0x51: {  	_ =	swait.ge [sflag:s18], $0x4000  }
0x52: {  	[sflag:s18] =	ssyncset.done $0x0  }
0x53: {  	s1 =	rddreg [dreg:$0x7];
	[sflag:s18] =	ssyncadd.s32 $0xFFFFC000  }
0x54: {  	[hbm4b:s1+s2] =	stream.linear.scatter [tilespmem:s14], [sflag:$0x9], $0x4000, $0x38;
	[tilespmem:$0x19000] =	vst v63  }
0x55: {  	_ =	swait.ge [sflag:s8], $0x4000  }
0x56: {  	s1 =	sld [smem:$0x7F3]  }
0x57: {  	[sflag:s8] =	ssyncset.done $0x0  }
0x58: {  	[sflag:s8] =	ssyncadd.s32 $0xFFFFC000  }
0x59: {  	[tilespmem:s17], [sflag:$0x2] =	stream.indirect.gather [hbm4b:s3+s12], $0x80, s1, s12, $0xb8;
	[tilespmem:$0x19000] =	vst v63  }
0x5a: {  	_ =	swait.ge [sflag:s19], $0x4000  }
0x5b: {  	[sflag:s19] =	ssyncset.done $0x0  }
0x5c: {  	s1 =	rddreg [dreg:$0x8];
	[sflag:s19] =	ssyncadd.s32 $0xFFFFC000  }
0x5d: {  	[hbm4b:s1+s2] =	stream.linear.scatter [tilespmem:s11], [sflag:$0xA], $0x4000, $0x38;
	[tilespmem:$0x19000] =	vst v63  }
0x5e: {  	_ =	swait.ge [sflag:s10], $0x4000  }
0x5f: {  	s1 =	sld [smem:$0x7F4]  }
0x60: {  	[sflag:s10] =	ssyncset.done $0x0  }
0x61: {  	[sflag:s10] =	ssyncadd.s32 $0xFFFFC000  }
0x62: {  	[tilespmem:s14], [sflag:$0x3] =	stream.indirect.gather [hbm4b:s3+s12], $0x80, s1, s12, $0xb8;
	[tilespmem:$0x19000] =	vst v63  }
0x63: {  	_ =	swait.ge [sflag:s20], $0x4000  }
0x64: {  	[sflag:s20] =	ssyncset.done $0x0  }
0x65: {  	s1 =	rddreg [dreg:$0x9];
	[sflag:s20] =	ssyncadd.s32 $0xFFFFC000  }
0x66: {  	[hbm4b:s1+s2] =	stream.linear.scatter [tilespmem:s9], [sflag:$0xB], $0x4000, $0x38;
	[tilespmem:$0x19000] =	vst v63  }
0x67: {  	_ =	swait.ge [sflag:s13], $0x4000  }
0x68: {  	s1 =	sld [smem:$0x7F5]  }
0x69: {  	[sflag:s13] =	ssyncset.done $0x0  }
0x6a: {  	[sflag:s13] =	ssyncadd.s32 $0xFFFFC000  }
0x6b: {  	[tilespmem:s11], [sflag:$0x4] =	stream.indirect.gather [hbm4b:s3+s12], $0x80, s1, s12, $0xb8;
	[tilespmem:$0x19000] =	vst v63  }
0x6c: {  	_ =	swait.ge [sflag:s22], $0x4000  }
0x6d: {  	[sflag:s22] =	ssyncset.done $0x0  }
0x6e: {  	s1 =	rddreg [dreg:$0xa];
	[sflag:s22] =	ssyncadd.s32 $0xFFFFC000  }
0x6f: {  	[hbm4b:s1+s2] =	stream.linear.scatter [tilespmem:s7], [sflag:$0xC], $0x4000, $0x38;
	[tilespmem:$0x19000] =	vst v63  }
0x70: {  	_ =	swait.ge [sflag:s15], $0x4000  }
0x71: {  	s1 =	sld [smem:$0x7F6]  }
0x72: {  	[sflag:s15] =	ssyncset.done $0x0  }
0x73: {  	[sflag:s15] =	ssyncadd.s32 $0xFFFFC000  }
0x74: {  	[tilespmem:s9], [sflag:$0x5] =	stream.indirect.gather [hbm4b:s3+s12], $0x80, s1, s12, $0xb8;
	[tilespmem:$0x19000] =	vst v63  }
0x75: {  	_ =	swait.ge [sflag:s5], $0x4000  }
0x76: {  	[sflag:s5] =	ssyncset.done $0x0  }
0x77: {  	s1 =	rddreg [dreg:$0xb];
	[sflag:s5] =	ssyncadd.s32 $0xFFFFC000  }
0x78: {  	[hbm4b:s1+s2] =	stream.linear.scatter [tilespmem:s4], [sflag:$0x7], $0x4000, $0x38;
	[tilespmem:$0x19000] =	vst v63  }
0x79: {  	_ =	swait.ge [sflag:s16], $0x4000  }
0x7a: {  	s1 =	sld [smem:$0x7F7]  }
0x7b: {  	[sflag:s16] =	ssyncset.done $0x0  }
0x7c: {  	[sflag:s16] =	ssyncadd.s32 $0xFFFFC000  }
0x7d: {  	[tilespmem:s7], [sflag:$0x6] =	stream.indirect.gather [hbm4b:s3+s12], $0x80, s1, s12, $0xb8;
	[tilespmem:$0x19000] =	vst v63  }
0x7e: {  	_ =	swait.ge [sflag:s21], $0x4000  }
0x7f: {  	[sflag:s21] =	ssyncset.done $0x0  }
0x80: {  	s1 =	rddreg [dreg:$0xc];
	[sflag:s21] =	ssyncadd.s32 $0xFFFFC000  }
0x81: {  	[hbm4b:s1+s2] =	stream.linear.scatter [tilespmem:s17], [sflag:$0x8], $0x4000, $0x38;
	[tilespmem:$0x19000] =	vst v63  }
0x82: {  	_ =	swait.ge [sflag:s6], $0x4000  }
0x83: {  	s1 =	sld [smem:$0x7F8]  }
0x84: {  	[sflag:s6] =	ssyncset.done $0x0  }
0x85: {  	[sflag:s6] =	ssyncadd.s32 $0xFFFFC000  }
0x86: {  	[tilespmem:s4], [sflag:$0x1] =	stream.indirect.gather [hbm4b:s3+s12], $0x80, s1, s12, $0xb8;
	[tilespmem:$0x19000] =	vst v63  }
0x87: {  	_ =	swait.ge [sflag:s18], $0x4000  }
0x88: {  	[sflag:s18] =	ssyncset.done $0x0  }
0x89: {  	s1 =	rddreg [dreg:$0xd];
	[sflag:s18] =	ssyncadd.s32 $0xFFFFC000  }
0x8a: {  	[hbm4b:s1+s2] =	stream.linear.scatter [tilespmem:s14], [sflag:$0x9], $0x4000, $0x38;
	[tilespmem:$0x19000] =	vst v63  }
0x8b: {  	_ =	swait.ge [sflag:s8], $0x4000  }
0x8c: {  	s1 =	sld [smem:$0x7F9]  }
0x8d: {  	[sflag:s8] =	ssyncset.done $0x0  }
0x8e: {  	[sflag:s8] =	ssyncadd.s32 $0xFFFFC000  }
0x8f: {  	[tilespmem:s17], [sflag:$0x2] =	stream.indirect.gather [hbm4b:s3+s12], $0x80, s1, s12, $0xb8;
	[tilespmem:$0x19000] =	vst v63  }
0x90: {  	_ =	swait.ge [sflag:s19], $0x4000  }
0x91: {  	[sflag:s19] =	ssyncset.done $0x0  }
0x92: {  	s1 =	rddreg [dreg:$0xe];
	[sflag:s19] =	ssyncadd.s32 $0xFFFFC000  }
0x93: {  	[hbm4b:s1+s2] =	stream.linear.scatter [tilespmem:s11], [sflag:$0xA], $0x4000, $0x38;
	[tilespmem:$0x19000] =	vst v63  }
0x94: {  	_ =	swait.ge [sflag:s10], $0x4000  }
0x95: {  	s1 =	sld [smem:$0x7FA]  }
0x96: {  	[sflag:s10] =	ssyncset.done $0x0  }
0x97: {  	[sflag:s10] =	ssyncadd.s32 $0xFFFFC000  }
0x98: {  	[tilespmem:s14], [sflag:$0x3] =	stream.indirect.gather [hbm4b:s3+s12], $0x80, s1, s12, $0xb8;
	[tilespmem:$0x19000] =	vst v63  }
0x99: {  	_ =	swait.ge [sflag:s20], $0x4000  }
0x9a: {  	[sflag:s20] =	ssyncset.done $0x0  }
0x9b: {  	s1 =	rddreg [dreg:$0xf];
	[sflag:s20] =	ssyncadd.s32 $0xFFFFC000  }
0x9c: {  	[hbm4b:s1+s2] =	stream.linear.scatter [tilespmem:s9], [sflag:$0xB], $0x4000, $0x38;
	[tilespmem:$0x19000] =	vst v63  }
0x9d: {  	_ =	swait.ge [sflag:s13], $0x4000  }
0x9e: {  	s1 =	sld [smem:$0x7FB]  }
0x9f: {  	[sflag:s13] =	ssyncset.done $0x0  }
0xa0: {  	[sflag:s13] =	ssyncadd.s32 $0xFFFFC000  }
0xa1: {  	[tilespmem:s11], [sflag:$0x4] =	stream.indirect.gather [hbm4b:s3+s12], $0x80, s1, s12, $0xb8;
	[tilespmem:$0x19000] =	vst v63  }
0xa2: {  	_ =	swait.ge [sflag:s22], $0x4000  }
0xa3: {  	[sflag:s22] =	ssyncset.done $0x0  }
0xa4: {  	s1 =	rddreg [dreg:$0x10];
	[sflag:s22] =	ssyncadd.s32 $0xFFFFC000  }
0xa5: {  	[hbm4b:s1+s2] =	stream.linear.scatter [tilespmem:s7], [sflag:$0xC], $0x4000, $0x38;
	[tilespmem:$0x19000] =	vst v63  }
0xa6: {  	_ =	swait.ge [sflag:s15], $0x4000  }
0xa7: {  	s1 =	sld [smem:$0x7FC]  }
0xa8: {  	[sflag:s15] =	ssyncset.done $0x0  }
0xa9: {  	[sflag:s15] =	ssyncadd.s32 $0xFFFFC000  }
0xaa: {  	[tilespmem:s9], [sflag:$0x5] =	stream.indirect.gather [hbm4b:s3+s12], $0x80, s1, s12, $0xb8;
	[tilespmem:$0x19000] =	vst v63  }
0xab: {  	_ =	swait.ge [sflag:s5], $0x4000  }
0xac: {  	[sflag:s5] =	ssyncset.done $0x0  }
0xad: {  	s1 =	rddreg [dreg:$0x11];
	[sflag:s5] =	ssyncadd.s32 $0xFFFFC000  }
0xae: {  	[hbm4b:s1+s2] =	stream.linear.scatter [tilespmem:s4], [sflag:$0x7], $0x4000, $0x38;
	[tilespmem:$0x19000] =	vst v63  }
0xaf: {  	_ =	swait.ge [sflag:s16], $0x4000  }
0xb0: {  	s1 =	sld [smem:$0x7FD]  }
0xb1: {  	[sflag:s16] =	ssyncset.done $0x0  }
0xb2: {  	[sflag:s16] =	ssyncadd.s32 $0xFFFFC000  }
0xb3: {  	[tilespmem:s7], [sflag:$0x6] =	stream.indirect.gather [hbm4b:s3+s12], $0x80, s1, s12, $0xb8;
	[tilespmem:$0x19000] =	vst v63  }
0xb4: {  	_ =	swait.ge [sflag:s21], $0x4000  }
0xb5: {  	[sflag:s21] =	ssyncset.done $0x0  }
0xb6: {  	s1 =	rddreg [dreg:$0x12];
	[sflag:s21] =	ssyncadd.s32 $0xFFFFC000  }
0xb7: {  	[hbm4b:s1+s2] =	stream.linear.scatter [tilespmem:s17], [sflag:$0x8], $0x4000, $0x38;
	[tilespmem:$0x19000] =	vst v63  }
0xb8: {  	_ =	swait.ge [sflag:s6], $0x4000  }
0xb9: {  	[sflag:s6] =	ssyncset.done $0x0  }
0xba: {  	s1 =	simm.s32 $0x900;
	[sflag:s6] =	ssyncadd.s32 $0xFFFFC000  }
0xbb: {  	[tilespmem:s4], [sflag:$0x1] =	stream.indirect.gather [hbm4b:s3+s12], $0x80, s1, s12, $0xb8;
	[tilespmem:$0x19000] =	vst v63  }
0xbc: {  	_ =	swait.ge [sflag:s18], $0x4000  }
0xbd: {  	[sflag:s18] =	ssyncset.done $0x0  }
0xbe: {  	s1 =	rddreg [dreg:$0x13];
	[sflag:s18] =	ssyncadd.s32 $0xFFFFC000  }
0xbf: {  	[hbm4b:s1+s2] =	stream.linear.scatter [tilespmem:s14], [sflag:$0x9], $0x4000, $0x38;
	[tilespmem:$0x19000] =	vst v63  }
0xc0: {  	_ =	swait.ge [sflag:s8], $0x4000  }
0xc1: {  	[sflag:s8] =	ssyncset.done $0x0  }
0xc2: {  	[sflag:s8] =	ssyncadd.s32 $0xFFFFC000  }
0xc3: {  	[tilespmem:s17], [sflag:$0x2] =	stream.indirect.gather [hbm4b:s3+s12], $0x80, s30, s12, $0xb8;
	[tilespmem:$0x19000] =	vst v63  }
0xc4: {  	_ =	swait.ge [sflag:s19], $0x4000  }
0xc5: {  	[sflag:s19] =	ssyncset.done $0x0  }
0xc6: {  	s1 =	rddreg [dreg:$0x14];
	[sflag:s19] =	ssyncadd.s32 $0xFFFFC000  }
0xc7: {  	[hbm4b:s1+s2] =	stream.linear.scatter [tilespmem:s11], [sflag:$0xA], $0x4000, $0x38;
	[tilespmem:$0x19000] =	vst v63  }
0xc8: {  	_ =	swait.ge [sflag:s10], $0x4000  }
0xc9: {  	[sflag:s10] =	ssyncset.done $0x0  }
0xca: {  	[sflag:s10] =	ssyncadd.s32 $0xFFFFC000  }
0xcb: {  	[tilespmem:s14], [sflag:$0x3] =	stream.indirect.gather [hbm4b:s3+s12], $0x80, s29, s12, $0xb8;
	[tilespmem:$0x19000] =	vst v63  }
0xcc: {  	_ =	swait.ge [sflag:s20], $0x4000  }
0xcd: {  	[sflag:s20] =	ssyncset.done $0x0  }
0xce: {  	s1 =	rddreg [dreg:$0x15];
	[sflag:s20] =	ssyncadd.s32 $0xFFFFC000  }
0xcf: {  	[hbm4b:s1+s2] =	stream.linear.scatter [tilespmem:s9], [sflag:$0xB], $0x4000, $0x38;
	[tilespmem:$0x19000] =	vst v63  }
0xd0: {  	_ =	swait.ge [sflag:s13], $0x4000  }
0xd1: {  	[sflag:s13] =	ssyncset.done $0x0  }
0xd2: {  	[sflag:s13] =	ssyncadd.s32 $0xFFFFC000  }
0xd3: {  	[tilespmem:s11], [sflag:$0x4] =	stream.indirect.gather [hbm4b:s3+s12], $0x80, s28, s12, $0xb8;
	[tilespmem:$0x19000] =	vst v63  }
0xd4: {  	_ =	swait.ge [sflag:s22], $0x4000  }
0xd5: {  	[sflag:s22] =	ssyncset.done $0x0  }
0xd6: {  	s1 =	rddreg [dreg:$0x16];
	[sflag:s22] =	ssyncadd.s32 $0xFFFFC000  }
0xd7: {  	[hbm4b:s1+s2] =	stream.linear.scatter [tilespmem:s7], [sflag:$0xC], $0x4000, $0x38;
	[tilespmem:$0x19000] =	vst v63  }
0xd8: {  	_ =	swait.ge [sflag:s15], $0x4000  }
0xd9: {  	[sflag:s15] =	ssyncset.done $0x0  }
0xda: {  	[sflag:s15] =	ssyncadd.s32 $0xFFFFC000  }
0xdb: {  	[tilespmem:s9], [sflag:$0x5] =	stream.indirect.gather [hbm4b:s3+s12], $0x80, s26, s12, $0xb8;
	[tilespmem:$0x19000] =	vst v63  }
0xdc: {  	_ =	swait.ge [sflag:s5], $0x4000  }
0xdd: {  	[sflag:s5] =	ssyncset.done $0x0  }
0xde: {  	s1 =	rddreg [dreg:$0x17];
	[sflag:s5] =	ssyncadd.s32 $0xFFFFC000  }
0xdf: {  	[hbm4b:s1+s2] =	stream.linear.scatter [tilespmem:s4], [sflag:$0x7], $0x4000, $0x38;
	[tilespmem:$0x19000] =	vst v63  }
0xe0: {  	_ =	swait.ge [sflag:s16], $0x4000  }
0xe1: {  	[sflag:s16] =	ssyncset.done $0x0  }
0xe2: {  	[sflag:s16] =	ssyncadd.s32 $0xFFFFC000  }
0xe3: {  	[tilespmem:s7], [sflag:$0x6] =	stream.indirect.gather [hbm4b:s3+s12], $0x80, s25, s12, $0xb8;
	[tilespmem:$0x19000] =	vst v63  }
0xe4: {  	_ =	swait.ge [sflag:s21], $0x4000  }
0xe5: {  	[sflag:s21] =	ssyncset.done $0x0  }
0xe6: {  	s1 =	rddreg [dreg:$0x18];
	[sflag:s21] =	ssyncadd.s32 $0xFFFFC000  }
0xe7: {  	[hbm4b:s1+s2] =	stream.linear.scatter [tilespmem:s17], [sflag:$0x8], $0x4000, $0x38;
	[tilespmem:$0x19000] =	vst v63  }
0xe8: {  	_ =	swait.ge [sflag:s6], $0x4000  }
0xe9: {  	[sflag:s6] =	ssyncset.done $0x0  }
0xea: {  	[sflag:s6] =	ssyncadd.s32 $0xFFFFC000  }
0xeb: {  	[tilespmem:s4], [sflag:$0x1] =	stream.indirect.gather [hbm4b:s3+s12], $0x80, s24, s12, $0xb8;
	[tilespmem:$0x19000] =	vst v63  }
0xec: {  	_ =	swait.ge [sflag:s18], $0x4000  }
0xed: {  	[sflag:s18] =	ssyncset.done $0x0  }
0xee: {  	s1 =	rddreg [dreg:$0x19];
	[sflag:s18] =	ssyncadd.s32 $0xFFFFC000  }
0xef: {  	[hbm4b:s1+s2] =	stream.linear.scatter [tilespmem:s14], [sflag:$0x9], $0x4000, $0x38;
	[tilespmem:$0x19000] =	vst v63  }
0xf0: {  	_ =	swait.ge [sflag:s19], $0x4000  }
0xf1: {  	[sflag:s19] =	ssyncset.done $0x0  }
0xf2: {  	s1 =	rddreg [dreg:$0x1a];
	[sflag:s19] =	ssyncadd.s32 $0xFFFFC000  }
0xf3: {  	[hbm4b:s1+s2] =	stream.linear.scatter [tilespmem:s11], [sflag:$0xA], $0x4000, $0x38;
	[tilespmem:$0x19000] =	vst v63  }
0xf4: {  	_ =	swait.ge [sflag:s20], $0x4000  }
0xf5: {  	[sflag:s20] =	ssyncset.done $0x0  }
0xf6: {  	s1 =	rddreg [dreg:$0x1b];
	[sflag:s20] =	ssyncadd.s32 $0xFFFFC000  }
0xf7: {  	[hbm4b:s1+s2] =	stream.linear.scatter [tilespmem:s9], [sflag:$0xB], $0x4000, $0x38;
	[tilespmem:$0x19000] =	vst v63  }
0xf8: {  	_ =	swait.ge [sflag:s22], $0x4000  }
0xf9: {  	[sflag:s22] =	ssyncset.done $0x0  }
0xfa: {  	s1 =	rddreg [dreg:$0x1c];
	[sflag:s22] =	ssyncadd.s32 $0xFFFFC000  }
0xfb: {  	[hbm4b:s1+s2] =	stream.linear.scatter [tilespmem:s7], [sflag:$0xC], $0x4000, $0x38;
	[tilespmem:$0x19000] =	vst v63  }
0xfc: {  	_ =	swait.ge [sflag:s5], $0x4000  }
0xfd: {  	[sflag:s5] =	ssyncset.done $0x0  }
0xfe: {  	s1 =	rddreg [dreg:$0x1d];
	[sflag:s5] =	ssyncadd.s32 $0xFFFFC000  }
0xff: {  	[hbm4b:s1+s2] =	stream.linear.scatter [tilespmem:s4], [sflag:$0x7], $0x4000, $0x38;
	[tilespmem:$0x19000] =	vst v63  }
0x100: {  	_ =	swait.ge [sflag:s6], $0x4000  }
0x101: {  	[sflag:s6] =	ssyncset.done $0x0  }
0x102: {  	[sflag:s6] =	ssyncadd.s32 $0xFFFFC000  }
0x103: {  	_ =	swait.ge [sflag:s8], $0x4000  }
0x104: {  	[sflag:s8] =	ssyncset.done $0x0  }
0x105: {  	[sflag:s8] =	ssyncadd.s32 $0xFFFFC000  }
0x106: {  	_ =	swait.ge [sflag:s10], $0x4000  }
0x107: {  	[sflag:s10] =	ssyncset.done $0x0  }
0x108: {  	[sflag:s10] =	ssyncadd.s32 $0xFFFFC000  }
0x109: {  	_ =	swait.ge [sflag:s13], $0x4000  }
0x10a: {  	[sflag:s13] =	ssyncset.done $0x0  }
0x10b: {  	p1 =	sne.s32 s23, $0x1;
	[sflag:s13] =	ssyncadd.s32 $0xFFFFC000  }
.Ltmp1:
0x10c: {  	_ =	swait.ge [sflag:s15], $0x4000;
	(pc) =	sbr.rel @!p1 .LBB2_3-.Ltmp1, $4  }
0x10d: {  	[sflag:s15] =	ssyncset.done $0x0  }
0x10e: {  	[sflag:s15] =	ssyncadd.s32 $0xFFFFC000  }
0x10f: {  	p0 =	por $0x1, $0x1;
	_ =	swait.ge [sflag:s16], $0x4000  }
0x110: {  	s1 =	sadd.s32 $0xFFFFFFFF, s23;
	s0 =	rddreg [dreg:$0x4];
	[sflag:s16] =	ssyncset.done $0x0  }
.LBB2_4:
0x111: {  	[sflag:s16] =	ssyncadd.s32 $0xFFFFC000  }
0x112: {  	[tilespmem:s2], [sflag:$0xD] =	stream.linear.gather [hbm4b:s0+s2], $0xC80, $0x38;
	[tilespmem:$0x19000] =	vst v63  }
0x113: {  	_ =	swait.ge [sflag:s31], $0xC80  }
0x114: {  	[sflag:s31] =	ssyncset.done $0x0  }
0x115: {  	[sflag:s31] =	ssyncadd.s32 $0xFFFFF380  }
0x116: {  	[tilespmem:s4], [sflag:$0x1] =	stream.indirect.gather [hbm4b:s3+s12], $0x80, s2, s12, $0xb8;
	[tilespmem:$0x19000] =	vst v63  }
0x117: {  	s0 =	rddreg [dreg:$0x1e]  }
0x118: {  	[tilespmem:s17], [sflag:$0x2] =	stream.indirect.gather [hbm4b:s3+s12], $0x80, s12, s12, $0xb8;
	[tilespmem:$0x19000] =	vst v63  }
0x119: {  	s23 =	rddreg [dreg:$0x1f]  }
0x11a: {  	[tilespmem:s14], [sflag:$0x3] =	stream.indirect.gather [hbm4b:s3+s12], $0x80, s0, s12, $0xb8;
	[tilespmem:$0x19000] =	vst v63  }
0x11b: {  	s0 =	sld [smem:$0x7F0]  }
0x11c: {  	[tilespmem:s11], [sflag:$0x4] =	stream.indirect.gather [hbm4b:s3+s12], $0x80, s23, s12, $0xb8;
	[tilespmem:$0x19000] =	vst v63  }
0x11d: {  	_ = 	snop  }
0x11e: {  	[tilespmem:s9], [sflag:$0x5] =	stream.indirect.gather [hbm4b:s3+s12], $0x80, s0, s12, $0xb8;
	[tilespmem:$0x19000] =	vst v63  }
0x11f: {  	_ =	swait.ge [sflag:s5], $0x4000  }
0x120: {  	s0 =	rddreg [dreg:$0x5];
	[sflag:s5] =	ssyncset.done $0x0  }
0x121: {  	s23 =	sld [smem:$0x7F1];
	[sflag:s5] =	ssyncadd.s32 $0xFFFFC000  }
0x122: {  	[hbm4b:s0+s2] =	stream.linear.scatter [tilespmem:s4], [sflag:$0x7], $0x4000, $0x38;
	[tilespmem:$0x19000] =	vst v63  }
0x123: {  	_ = 	snop  }
0x124: {  	[tilespmem:s7], [sflag:$0x6] =	stream.indirect.gather [hbm4b:s3+s12], $0x80, s23, s12, $0xb8;
	[tilespmem:$0x19000] =	vst v63  }
0x125: {  	_ =	swait.ge [sflag:s21], $0x4000  }
0x126: {  	[sflag:s21] =	ssyncset.done $0x0  }
0x127: {  	s23 =	rddreg [dreg:$0x6];
	[sflag:s21] =	ssyncadd.s32 $0xFFFFC000  }
0x128: {  	[hbm4b:s23+s2] =	stream.linear.scatter [tilespmem:s17], [sflag:$0x8], $0x4000, $0x38;
	[tilespmem:$0x19000] =	vst v63  }
0x129: {  	_ =	swait.ge [sflag:s6], $0x4000  }
0x12a: {  	s23 =	sld [smem:$0x7F2]  }
0x12b: {  	[sflag:s6] =	ssyncset.done $0x0  }
0x12c: {  	[sflag:s6] =	ssyncadd.s32 $0xFFFFC000  }
0x12d: {  	[tilespmem:s4], [sflag:$0x1] =	stream.indirect.gather [hbm4b:s3+s12], $0x80, s23, s12, $0xb8;
	[tilespmem:$0x19000] =	vst v63  }
0x12e: {  	_ =	swait.ge [sflag:s18], $0x4000  }
0x12f: {  	[sflag:s18] =	ssyncset.done $0x0  }
0x130: {  	s23 =	rddreg [dreg:$0x7];
	[sflag:s18] =	ssyncadd.s32 $0xFFFFC000  }
0x131: {  	[hbm4b:s23+s2] =	stream.linear.scatter [tilespmem:s14], [sflag:$0x9], $0x4000, $0x38;
	[tilespmem:$0x19000] =	vst v63  }
0x132: {  	_ =	swait.ge [sflag:s8], $0x4000  }
0x133: {  	s23 =	sld [smem:$0x7F3]  }
0x134: {  	[sflag:s8] =	ssyncset.done $0x0  }
0x135: {  	[sflag:s8] =	ssyncadd.s32 $0xFFFFC000  }
0x136: {  	[tilespmem:s17], [sflag:$0x2] =	stream.indirect.gather [hbm4b:s3+s12], $0x80, s23, s12, $0xb8;
	[tilespmem:$0x19000] =	vst v63  }
0x137: {  	_ =	swait.ge [sflag:s19], $0x4000  }
0x138: {  	[sflag:s19] =	ssyncset.done $0x0  }
0x139: {  	s23 =	rddreg [dreg:$0x8];
	[sflag:s19] =	ssyncadd.s32 $0xFFFFC000  }
0x13a: {  	[hbm4b:s23+s2] =	stream.linear.scatter [tilespmem:s11], [sflag:$0xA], $0x4000, $0x38;
	[tilespmem:$0x19000] =	vst v63  }
0x13b: {  	_ =	swait.ge [sflag:s10], $0x4000  }
0x13c: {  	s23 =	sld [smem:$0x7F4]  }
0x13d: {  	[sflag:s10] =	ssyncset.done $0x0  }
0x13e: {  	[sflag:s10] =	ssyncadd.s32 $0xFFFFC000  }
0x13f: {  	[tilespmem:s14], [sflag:$0x3] =	stream.indirect.gather [hbm4b:s3+s12], $0x80, s23, s12, $0xb8;
	[tilespmem:$0x19000] =	vst v63  }
0x140: {  	_ =	swait.ge [sflag:s20], $0x4000  }
0x141: {  	[sflag:s20] =	ssyncset.done $0x0  }
0x142: {  	s23 =	rddreg [dreg:$0x9];
	[sflag:s20] =	ssyncadd.s32 $0xFFFFC000  }
0x143: {  	[hbm4b:s23+s2] =	stream.linear.scatter [tilespmem:s9], [sflag:$0xB], $0x4000, $0x38;
	[tilespmem:$0x19000] =	vst v63  }
0x144: {  	_ =	swait.ge [sflag:s13], $0x4000  }
0x145: {  	s23 =	sld [smem:$0x7F5]  }
0x146: {  	[sflag:s13] =	ssyncset.done $0x0  }
0x147: {  	[sflag:s13] =	ssyncadd.s32 $0xFFFFC000  }
0x148: {  	[tilespmem:s11], [sflag:$0x4] =	stream.indirect.gather [hbm4b:s3+s12], $0x80, s23, s12, $0xb8;
	[tilespmem:$0x19000] =	vst v63  }
0x149: {  	_ =	swait.ge [sflag:s22], $0x4000  }
0x14a: {  	[sflag:s22] =	ssyncset.done $0x0  }
0x14b: {  	s23 =	rddreg [dreg:$0xa];
	[sflag:s22] =	ssyncadd.s32 $0xFFFFC000  }
0x14c: {  	[hbm4b:s23+s2] =	stream.linear.scatter [tilespmem:s7], [sflag:$0xC], $0x4000, $0x38;
	[tilespmem:$0x19000] =	vst v63  }
0x14d: {  	_ =	swait.ge [sflag:s15], $0x4000  }
0x14e: {  	s23 =	sld [smem:$0x7F6]  }
0x14f: {  	[sflag:s15] =	ssyncset.done $0x0  }
0x150: {  	[sflag:s15] =	ssyncadd.s32 $0xFFFFC000  }
0x151: {  	[tilespmem:s9], [sflag:$0x5] =	stream.indirect.gather [hbm4b:s3+s12], $0x80, s23, s12, $0xb8;
	[tilespmem:$0x19000] =	vst v63  }
0x152: {  	_ =	swait.ge [sflag:s5], $0x4000  }
0x153: {  	[sflag:s5] =	ssyncset.done $0x0  }
0x154: {  	s23 =	rddreg [dreg:$0xb];
	[sflag:s5] =	ssyncadd.s32 $0xFFFFC000  }
0x155: {  	[hbm4b:s23+s2] =	stream.linear.scatter [tilespmem:s4], [sflag:$0x7], $0x4000, $0x38;
	[tilespmem:$0x19000] =	vst v63  }
0x156: {  	_ =	swait.ge [sflag:s16], $0x4000  }
0x157: {  	s23 =	sld [smem:$0x7F7]  }
0x158: {  	[sflag:s16] =	ssyncset.done $0x0  }
0x159: {  	[sflag:s16] =	ssyncadd.s32 $0xFFFFC000  }
0x15a: {  	[tilespmem:s7], [sflag:$0x6] =	stream.indirect.gather [hbm4b:s3+s12], $0x80, s23, s12, $0xb8;
	[tilespmem:$0x19000] =	vst v63  }
0x15b: {  	_ =	swait.ge [sflag:s21], $0x4000  }
0x15c: {  	[sflag:s21] =	ssyncset.done $0x0  }
0x15d: {  	s23 =	rddreg [dreg:$0xc];
	[sflag:s21] =	ssyncadd.s32 $0xFFFFC000  }
0x15e: {  	[hbm4b:s23+s2] =	stream.linear.scatter [tilespmem:s17], [sflag:$0x8], $0x4000, $0x38;
	[tilespmem:$0x19000] =	vst v63  }
0x15f: {  	_ =	swait.ge [sflag:s6], $0x4000  }
0x160: {  	s23 =	sld [smem:$0x7F8]  }
0x161: {  	[sflag:s6] =	ssyncset.done $0x0  }
0x162: {  	[sflag:s6] =	ssyncadd.s32 $0xFFFFC000  }
0x163: {  	[tilespmem:s4], [sflag:$0x1] =	stream.indirect.gather [hbm4b:s3+s12], $0x80, s23, s12, $0xb8;
	[tilespmem:$0x19000] =	vst v63  }
0x164: {  	_ =	swait.ge [sflag:s18], $0x4000  }
0x165: {  	[sflag:s18] =	ssyncset.done $0x0  }
0x166: {  	s23 =	rddreg [dreg:$0xd];
	[sflag:s18] =	ssyncadd.s32 $0xFFFFC000  }
0x167: {  	[hbm4b:s23+s2] =	stream.linear.scatter [tilespmem:s14], [sflag:$0x9], $0x4000, $0x38;
	[tilespmem:$0x19000] =	vst v63  }
0x168: {  	_ =	swait.ge [sflag:s8], $0x4000  }
0x169: {  	s23 =	sld [smem:$0x7F9]  }
0x16a: {  	[sflag:s8] =	ssyncset.done $0x0  }
0x16b: {  	[sflag:s8] =	ssyncadd.s32 $0xFFFFC000  }
0x16c: {  	[tilespmem:s17], [sflag:$0x2] =	stream.indirect.gather [hbm4b:s3+s12], $0x80, s23, s12, $0xb8;
	[tilespmem:$0x19000] =	vst v63  }
0x16d: {  	_ =	swait.ge [sflag:s19], $0x4000  }
0x16e: {  	[sflag:s19] =	ssyncset.done $0x0  }
0x16f: {  	s23 =	rddreg [dreg:$0xe];
	[sflag:s19] =	ssyncadd.s32 $0xFFFFC000  }
0x170: {  	[hbm4b:s23+s2] =	stream.linear.scatter [tilespmem:s11], [sflag:$0xA], $0x4000, $0x38;
	[tilespmem:$0x19000] =	vst v63  }
0x171: {  	_ =	swait.ge [sflag:s10], $0x4000  }
0x172: {  	s23 =	sld [smem:$0x7FA]  }
0x173: {  	[sflag:s10] =	ssyncset.done $0x0  }
0x174: {  	[sflag:s10] =	ssyncadd.s32 $0xFFFFC000  }
0x175: {  	[tilespmem:s14], [sflag:$0x3] =	stream.indirect.gather [hbm4b:s3+s12], $0x80, s23, s12, $0xb8;
	[tilespmem:$0x19000] =	vst v63  }
0x176: {  	_ =	swait.ge [sflag:s20], $0x4000  }
0x177: {  	[sflag:s20] =	ssyncset.done $0x0  }
0x178: {  	s23 =	rddreg [dreg:$0xf];
	[sflag:s20] =	ssyncadd.s32 $0xFFFFC000  }
0x179: {  	[hbm4b:s23+s2] =	stream.linear.scatter [tilespmem:s9], [sflag:$0xB], $0x4000, $0x38;
	[tilespmem:$0x19000] =	vst v63  }
0x17a: {  	_ =	swait.ge [sflag:s13], $0x4000  }
0x17b: {  	s23 =	sld [smem:$0x7FB]  }
0x17c: {  	[sflag:s13] =	ssyncset.done $0x0  }
0x17d: {  	[sflag:s13] =	ssyncadd.s32 $0xFFFFC000  }
0x17e: {  	[tilespmem:s11], [sflag:$0x4] =	stream.indirect.gather [hbm4b:s3+s12], $0x80, s23, s12, $0xb8;
	[tilespmem:$0x19000] =	vst v63  }
0x17f: {  	_ =	swait.ge [sflag:s22], $0x4000  }
0x180: {  	[sflag:s22] =	ssyncset.done $0x0  }
0x181: {  	s23 =	rddreg [dreg:$0x10];
	[sflag:s22] =	ssyncadd.s32 $0xFFFFC000  }
0x182: {  	[hbm4b:s23+s2] =	stream.linear.scatter [tilespmem:s7], [sflag:$0xC], $0x4000, $0x38;
	[tilespmem:$0x19000] =	vst v63  }
0x183: {  	_ =	swait.ge [sflag:s15], $0x4000  }
0x184: {  	s23 =	sld [smem:$0x7FC]  }
0x185: {  	[sflag:s15] =	ssyncset.done $0x0  }
0x186: {  	[sflag:s15] =	ssyncadd.s32 $0xFFFFC000  }
0x187: {  	[tilespmem:s9], [sflag:$0x5] =	stream.indirect.gather [hbm4b:s3+s12], $0x80, s23, s12, $0xb8;
	[tilespmem:$0x19000] =	vst v63  }
0x188: {  	_ =	swait.ge [sflag:s5], $0x4000  }
0x189: {  	[sflag:s5] =	ssyncset.done $0x0  }
0x18a: {  	s23 =	rddreg [dreg:$0x11];
	[sflag:s5] =	ssyncadd.s32 $0xFFFFC000  }
0x18b: {  	[hbm4b:s23+s2] =	stream.linear.scatter [tilespmem:s4], [sflag:$0x7], $0x4000, $0x38;
	[tilespmem:$0x19000] =	vst v63  }
0x18c: {  	_ =	swait.ge [sflag:s16], $0x4000  }
0x18d: {  	s23 =	sld [smem:$0x7FD]  }
0x18e: {  	[sflag:s16] =	ssyncset.done $0x0  }
0x18f: {  	[sflag:s16] =	ssyncadd.s32 $0xFFFFC000  }
0x190: {  	[tilespmem:s7], [sflag:$0x6] =	stream.indirect.gather [hbm4b:s3+s12], $0x80, s23, s12, $0xb8;
	[tilespmem:$0x19000] =	vst v63  }
0x191: {  	_ =	swait.ge [sflag:s21], $0x4000  }
0x192: {  	[sflag:s21] =	ssyncset.done $0x0  }
0x193: {  	s23 =	rddreg [dreg:$0x12];
	[sflag:s21] =	ssyncadd.s32 $0xFFFFC000  }
0x194: {  	[hbm4b:s23+s2] =	stream.linear.scatter [tilespmem:s17], [sflag:$0x8], $0x4000, $0x38;
	[tilespmem:$0x19000] =	vst v63  }
0x195: {  	_ =	swait.ge [sflag:s6], $0x4000  }
0x196: {  	[sflag:s6] =	ssyncset.done $0x0  }
0x197: {  	s23 =	simm.s32 $0x900;
	[sflag:s6] =	ssyncadd.s32 $0xFFFFC000  }
0x198: {  	[tilespmem:s4], [sflag:$0x1] =	stream.indirect.gather [hbm4b:s3+s12], $0x80, s23, s12, $0xb8;
	[tilespmem:$0x19000] =	vst v63  }
0x199: {  	_ =	swait.ge [sflag:s18], $0x4000  }
0x19a: {  	[sflag:s18] =	ssyncset.done $0x0  }
0x19b: {  	s23 =	rddreg [dreg:$0x13];
	[sflag:s18] =	ssyncadd.s32 $0xFFFFC000  }
0x19c: {  	[hbm4b:s23+s2] =	stream.linear.scatter [tilespmem:s14], [sflag:$0x9], $0x4000, $0x38;
	[tilespmem:$0x19000] =	vst v63  }
0x19d: {  	_ =	swait.ge [sflag:s8], $0x4000  }
0x19e: {  	[sflag:s8] =	ssyncset.done $0x0  }
0x19f: {  	[sflag:s8] =	ssyncadd.s32 $0xFFFFC000  }
0x1a0: {  	[tilespmem:s17], [sflag:$0x2] =	stream.indirect.gather [hbm4b:s3+s12], $0x80, s30, s12, $0xb8;
	[tilespmem:$0x19000] =	vst v63  }
0x1a1: {  	_ =	swait.ge [sflag:s19], $0x4000  }
0x1a2: {  	[sflag:s19] =	ssyncset.done $0x0  }
0x1a3: {  	s23 =	rddreg [dreg:$0x14];
	[sflag:s19] =	ssyncadd.s32 $0xFFFFC000  }
0x1a4: {  	[hbm4b:s23+s2] =	stream.linear.scatter [tilespmem:s11], [sflag:$0xA], $0x4000, $0x38;
	[tilespmem:$0x19000] =	vst v63  }
0x1a5: {  	_ =	swait.ge [sflag:s10], $0x4000  }
0x1a6: {  	[sflag:s10] =	ssyncset.done $0x0  }
0x1a7: {  	[sflag:s10] =	ssyncadd.s32 $0xFFFFC000  }
0x1a8: {  	[tilespmem:s14], [sflag:$0x3] =	stream.indirect.gather [hbm4b:s3+s12], $0x80, s29, s12, $0xb8;
	[tilespmem:$0x19000] =	vst v63  }
0x1a9: {  	_ =	swait.ge [sflag:s20], $0x4000  }
0x1aa: {  	[sflag:s20] =	ssyncset.done $0x0  }
0x1ab: {  	s23 =	rddreg [dreg:$0x15];
	[sflag:s20] =	ssyncadd.s32 $0xFFFFC000  }
0x1ac: {  	[hbm4b:s23+s2] =	stream.linear.scatter [tilespmem:s9], [sflag:$0xB], $0x4000, $0x38;
	[tilespmem:$0x19000] =	vst v63  }
0x1ad: {  	_ =	swait.ge [sflag:s13], $0x4000  }
0x1ae: {  	[sflag:s13] =	ssyncset.done $0x0  }
0x1af: {  	[sflag:s13] =	ssyncadd.s32 $0xFFFFC000  }
0x1b0: {  	[tilespmem:s11], [sflag:$0x4] =	stream.indirect.gather [hbm4b:s3+s12], $0x80, s28, s12, $0xb8;
	[tilespmem:$0x19000] =	vst v63  }
0x1b1: {  	_ =	swait.ge [sflag:s22], $0x4000  }
0x1b2: {  	[sflag:s22] =	ssyncset.done $0x0  }
0x1b3: {  	s23 =	rddreg [dreg:$0x16];
	[sflag:s22] =	ssyncadd.s32 $0xFFFFC000  }
0x1b4: {  	[hbm4b:s23+s2] =	stream.linear.scatter [tilespmem:s7], [sflag:$0xC], $0x4000, $0x38;
	[tilespmem:$0x19000] =	vst v63  }
0x1b5: {  	_ =	swait.ge [sflag:s15], $0x4000  }
0x1b6: {  	[sflag:s15] =	ssyncset.done $0x0  }
0x1b7: {  	[sflag:s15] =	ssyncadd.s32 $0xFFFFC000  }
0x1b8: {  	[tilespmem:s9], [sflag:$0x5] =	stream.indirect.gather [hbm4b:s3+s12], $0x80, s26, s12, $0xb8;
	[tilespmem:$0x19000] =	vst v63  }
0x1b9: {  	_ =	swait.ge [sflag:s5], $0x4000  }
0x1ba: {  	[sflag:s5] =	ssyncset.done $0x0  }
0x1bb: {  	s23 =	rddreg [dreg:$0x17];
	[sflag:s5] =	ssyncadd.s32 $0xFFFFC000  }
0x1bc: {  	[hbm4b:s23+s2] =	stream.linear.scatter [tilespmem:s4], [sflag:$0x7], $0x4000, $0x38;
	[tilespmem:$0x19000] =	vst v63  }
0x1bd: {  	_ =	swait.ge [sflag:s16], $0x4000  }
0x1be: {  	[sflag:s16] =	ssyncset.done $0x0  }
0x1bf: {  	[sflag:s16] =	ssyncadd.s32 $0xFFFFC000  }
0x1c0: {  	[tilespmem:s7], [sflag:$0x6] =	stream.indirect.gather [hbm4b:s3+s12], $0x80, s25, s12, $0xb8;
	[tilespmem:$0x19000] =	vst v63  }
0x1c1: {  	_ =	swait.ge [sflag:s21], $0x4000  }
0x1c2: {  	[sflag:s21] =	ssyncset.done $0x0  }
0x1c3: {  	s23 =	rddreg [dreg:$0x18];
	[sflag:s21] =	ssyncadd.s32 $0xFFFFC000  }
0x1c4: {  	[hbm4b:s23+s2] =	stream.linear.scatter [tilespmem:s17], [sflag:$0x8], $0x4000, $0x38;
	[tilespmem:$0x19000] =	vst v63  }
0x1c5: {  	_ =	swait.ge [sflag:s6], $0x4000  }
0x1c6: {  	[sflag:s6] =	ssyncset.done $0x0  }
0x1c7: {  	[sflag:s6] =	ssyncadd.s32 $0xFFFFC000  }
0x1c8: {  	[tilespmem:s4], [sflag:$0x1] =	stream.indirect.gather [hbm4b:s3+s12], $0x80, s24, s12, $0xb8;
	[tilespmem:$0x19000] =	vst v63  }
0x1c9: {  	_ =	swait.ge [sflag:s18], $0x4000  }
0x1ca: {  	[sflag:s18] =	ssyncset.done $0x0  }
0x1cb: {  	s23 =	rddreg [dreg:$0x19];
	[sflag:s18] =	ssyncadd.s32 $0xFFFFC000  }
0x1cc: {  	[hbm4b:s23+s2] =	stream.linear.scatter [tilespmem:s14], [sflag:$0x9], $0x4000, $0x38;
	[tilespmem:$0x19000] =	vst v63  }
0x1cd: {  	_ =	swait.ge [sflag:s19], $0x4000  }
0x1ce: {  	[sflag:s19] =	ssyncset.done $0x0  }
0x1cf: {  	s23 =	rddreg [dreg:$0x1a];
	[sflag:s19] =	ssyncadd.s32 $0xFFFFC000  }
0x1d0: {  	[hbm4b:s23+s2] =	stream.linear.scatter [tilespmem:s11], [sflag:$0xA], $0x4000, $0x38;
	[tilespmem:$0x19000] =	vst v63  }
0x1d1: {  	_ =	swait.ge [sflag:s20], $0x4000  }
0x1d2: {  	[sflag:s20] =	ssyncset.done $0x0  }
0x1d3: {  	s23 =	rddreg [dreg:$0x1b];
	[sflag:s20] =	ssyncadd.s32 $0xFFFFC000  }
0x1d4: {  	[hbm4b:s23+s2] =	stream.linear.scatter [tilespmem:s9], [sflag:$0xB], $0x4000, $0x38;
	[tilespmem:$0x19000] =	vst v63  }
0x1d5: {  	_ =	swait.ge [sflag:s22], $0x4000  }
0x1d6: {  	[sflag:s22] =	ssyncset.done $0x0  }
0x1d7: {  	s23 =	rddreg [dreg:$0x1c];
	[sflag:s22] =	ssyncadd.s32 $0xFFFFC000  }
0x1d8: {  	[hbm4b:s23+s2] =	stream.linear.scatter [tilespmem:s7], [sflag:$0xC], $0x4000, $0x38;
	[tilespmem:$0x19000] =	vst v63  }
0x1d9: {  	_ =	swait.ge [sflag:s5], $0x4000  }
0x1da: {  	[sflag:s5] =	ssyncset.done $0x0  }
0x1db: {  	s23 =	rddreg [dreg:$0x1d];
	[sflag:s5] =	ssyncadd.s32 $0xFFFFC000  }
0x1dc: {  	[hbm4b:s23+s2] =	stream.linear.scatter [tilespmem:s4], [sflag:$0x7], $0x4000, $0x38;
	[tilespmem:$0x19000] =	vst v63  }
0x1dd: {  	_ =	swait.ge [sflag:s6], $0x4000  }
0x1de: {  	[sflag:s6] =	ssyncset.done $0x0  }
0x1df: {  	[sflag:s6] =	ssyncadd.s32 $0xFFFFC000  }
0x1e0: {  	_ =	swait.ge [sflag:s8], $0x4000  }
0x1e1: {  	[sflag:s8] =	ssyncset.done $0x0  }
0x1e2: {  	[sflag:s8] =	ssyncadd.s32 $0xFFFFC000  }
0x1e3: {  	_ =	swait.ge [sflag:s10], $0x4000  }
0x1e4: {  	[sflag:s10] =	ssyncset.done $0x0  }
0x1e5: {  	[sflag:s10] =	ssyncadd.s32 $0xFFFFC000  }
0x1e6: {  	_ =	swait.ge [sflag:s13], $0x4000  }
0x1e7: {  	[sflag:s13] =	ssyncset.done $0x0  }
0x1e8: {  	p1 =	sne.s32 s1, $0x1;
	[sflag:s13] =	ssyncadd.s32 $0xFFFFC000  }
.Ltmp2:
0x1e9: {  	_ =	swait.ge [sflag:s15], $0x4000;
	(pc) =	sbr.rel @p1 .LBB2_4-.Ltmp2, $4  }
0x1ea: {  	[sflag:s15] =	ssyncset.done $0x0  }
0x1eb: {  	[sflag:s15] =	ssyncadd.s32 $0xFFFFC000  }
0x1ec: {  	_ =	swait.ge [sflag:s16], $0x4000  }
0x1ed: {  	s1 =	sadd.s32 $0xFFFFFFFF, s1;
	s0 =	rddreg [dreg:$0x4];
	[sflag:s16] =	ssyncset.done $0x0  }
0x1ee: {  	s24 =	simm.s32 $0x900  }
0x1ef: {  	s30 =	simm.s32 $0x980;
	s29 =	simm.s32 $0xA00;
	s28 =	simm.s32 $0xA80  }
0x1f0: {  	s26 =	simm.s32 $0xB00;
	s25 =	simm.s32 $0xB80;
	s23 =	stileid.u32  }
.LBB2_6:
0x1f1: {  	[sflag:s16] =	ssyncadd.s32 @p0 $0xFFFFC000  }
0x1f2: {  	[tilespmem:s2], [sflag:$0xD] =	stream.linear.gather [hbm4b:s0+s2], $0xC80, $0x38;
	[tilespmem:$0x19000] =	vst v63  }
0x1f3: {  	_ =	swait.ge [sflag:s31], $0xC80  }
0x1f4: {  	[sflag:s31] =	ssyncset.done $0x0  }
0x1f5: {  	[sflag:s31] =	ssyncadd.s32 $0xFFFFF380  }
0x1f6: {  	[tilespmem:s4], [sflag:$0x1] =	stream.indirect.gather [hbm4b:s3+s12], $0x80, s2, s12, $0xb8;
	[tilespmem:$0x19000] =	vst v63  }
0x1f7: {  	s1 =	rddreg [dreg:$0x1f]  }
0x1f8: {  	[tilespmem:s17], [sflag:$0x2] =	stream.indirect.gather [hbm4b:s3+s12], $0x80, s12, s12, $0xb8;
	[tilespmem:$0x19000] =	vst v63  }
0x1f9: {  	s31 =	rddreg [dreg:$0x1e]  }
0x1fa: {  	[tilespmem:s14], [sflag:$0x3] =	stream.indirect.gather [hbm4b:s3+s12], $0x80, s31, s12, $0xb8;
	[tilespmem:$0x19000] =	vst v63  }
0x1fb: {  	s31 =	sld [smem:$0x7F0]  }
0x1fc: {  	[tilespmem:s11], [sflag:$0x4] =	stream.indirect.gather [hbm4b:s3+s12], $0x80, s1, s12, $0xb8;
	[tilespmem:$0x19000] =	vst v63  }
0x1fd: {  	_ = 	snop  }
0x1fe: {  	[tilespmem:s9], [sflag:$0x5] =	stream.indirect.gather [hbm4b:s3+s12], $0x80, s31, s12, $0xb8;
	[tilespmem:$0x19000] =	vst v63  }
0x1ff: {  	_ =	swait.ge [sflag:s5], $0x4000  }
0x200: {  	s1 =	rddreg [dreg:$0x5];
	[sflag:s5] =	ssyncset.done $0x0  }
0x201: {  	s31 =	sld [smem:$0x7F1];
	[sflag:s5] =	ssyncadd.s32 $0xFFFFC000  }
0x202: {  	[hbm4b:s1+s2] =	stream.linear.scatter [tilespmem:s4], [sflag:$0x7], $0x4000, $0x38;
	[tilespmem:$0x19000] =	vst v63  }
0x203: {  	_ = 	snop  }
0x204: {  	[tilespmem:s7], [sflag:$0x6] =	stream.indirect.gather [hbm4b:s3+s12], $0x80, s31, s12, $0xb8;
	[tilespmem:$0x19000] =	vst v63  }
0x205: {  	_ =	swait.ge [sflag:s21], $0x4000  }
0x206: {  	[sflag:s21] =	ssyncset.done $0x0  }
0x207: {  	s31 =	rddreg [dreg:$0x6];
	[sflag:s21] =	ssyncadd.s32 $0xFFFFC000  }
0x208: {  	[hbm4b:s31+s2] =	stream.linear.scatter [tilespmem:s17], [sflag:$0x8], $0x4000, $0x38;
	[tilespmem:$0x19000] =	vst v63  }
0x209: {  	_ =	swait.ge [sflag:s6], $0x4000  }
0x20a: {  	s1 =	sld [smem:$0x7F2]  }
0x20b: {  	[sflag:s6] =	ssyncset.done $0x0  }
0x20c: {  	[sflag:s6] =	ssyncadd.s32 $0xFFFFC000  }
0x20d: {  	[tilespmem:s4], [sflag:$0x1] =	stream.indirect.gather [hbm4b:s3+s12], $0x80, s1, s12, $0xb8;
	[tilespmem:$0x19000] =	vst v63  }
0x20e: {  	_ =	swait.ge [sflag:s18], $0x4000  }
0x20f: {  	[sflag:s18] =	ssyncset.done $0x0  }
0x210: {  	s31 =	rddreg [dreg:$0x7];
	[sflag:s18] =	ssyncadd.s32 $0xFFFFC000  }
0x211: {  	[hbm4b:s31+s2] =	stream.linear.scatter [tilespmem:s14], [sflag:$0x9], $0x4000, $0x38;
	[tilespmem:$0x19000] =	vst v63  }
0x212: {  	_ =	swait.ge [sflag:s8], $0x4000  }
0x213: {  	s1 =	sld [smem:$0x7F3]  }
0x214: {  	[sflag:s8] =	ssyncset.done $0x0  }
0x215: {  	[sflag:s8] =	ssyncadd.s32 $0xFFFFC000  }
0x216: {  	[tilespmem:s17], [sflag:$0x2] =	stream.indirect.gather [hbm4b:s3+s12], $0x80, s1, s12, $0xb8;
	[tilespmem:$0x19000] =	vst v63  }
0x217: {  	_ =	swait.ge [sflag:s19], $0x4000  }
0x218: {  	[sflag:s19] =	ssyncset.done $0x0  }
0x219: {  	s31 =	rddreg [dreg:$0x8];
	[sflag:s19] =	ssyncadd.s32 $0xFFFFC000  }
0x21a: {  	[hbm4b:s31+s2] =	stream.linear.scatter [tilespmem:s11], [sflag:$0xA], $0x4000, $0x38;
	[tilespmem:$0x19000] =	vst v63  }
0x21b: {  	_ =	swait.ge [sflag:s10], $0x4000  }
0x21c: {  	s1 =	sld [smem:$0x7F4]  }
0x21d: {  	[sflag:s10] =	ssyncset.done $0x0  }
0x21e: {  	[sflag:s10] =	ssyncadd.s32 $0xFFFFC000  }
0x21f: {  	[tilespmem:s14], [sflag:$0x3] =	stream.indirect.gather [hbm4b:s3+s12], $0x80, s1, s12, $0xb8;
	[tilespmem:$0x19000] =	vst v63  }
0x220: {  	_ =	swait.ge [sflag:s20], $0x4000  }
0x221: {  	[sflag:s20] =	ssyncset.done $0x0  }
0x222: {  	s31 =	rddreg [dreg:$0x9];
	[sflag:s20] =	ssyncadd.s32 $0xFFFFC000  }
0x223: {  	[hbm4b:s31+s2] =	stream.linear.scatter [tilespmem:s9], [sflag:$0xB], $0x4000, $0x38;
	[tilespmem:$0x19000] =	vst v63  }
0x224: {  	_ =	swait.ge [sflag:s13], $0x4000  }
0x225: {  	s1 =	sld [smem:$0x7F5]  }
0x226: {  	[sflag:s13] =	ssyncset.done $0x0  }
0x227: {  	[sflag:s13] =	ssyncadd.s32 $0xFFFFC000  }
0x228: {  	[tilespmem:s11], [sflag:$0x4] =	stream.indirect.gather [hbm4b:s3+s12], $0x80, s1, s12, $0xb8;
	[tilespmem:$0x19000] =	vst v63  }
0x229: {  	_ =	swait.ge [sflag:s22], $0x4000  }
0x22a: {  	[sflag:s22] =	ssyncset.done $0x0  }
0x22b: {  	s31 =	rddreg [dreg:$0xa];
	[sflag:s22] =	ssyncadd.s32 $0xFFFFC000  }
0x22c: {  	[hbm4b:s31+s2] =	stream.linear.scatter [tilespmem:s7], [sflag:$0xC], $0x4000, $0x38;
	[tilespmem:$0x19000] =	vst v63  }
0x22d: {  	_ =	swait.ge [sflag:s15], $0x4000  }
0x22e: {  	s1 =	sld [smem:$0x7F6]  }
0x22f: {  	[sflag:s15] =	ssyncset.done $0x0  }
0x230: {  	[sflag:s15] =	ssyncadd.s32 $0xFFFFC000  }
0x231: {  	[tilespmem:s9], [sflag:$0x5] =	stream.indirect.gather [hbm4b:s3+s12], $0x80, s1, s12, $0xb8;
	[tilespmem:$0x19000] =	vst v63  }
0x232: {  	_ =	swait.ge [sflag:s5], $0x4000  }
0x233: {  	[sflag:s5] =	ssyncset.done $0x0  }
0x234: {  	s31 =	rddreg [dreg:$0xb];
	[sflag:s5] =	ssyncadd.s32 $0xFFFFC000  }
0x235: {  	[hbm4b:s31+s2] =	stream.linear.scatter [tilespmem:s4], [sflag:$0x7], $0x4000, $0x38;
	[tilespmem:$0x19000] =	vst v63  }
0x236: {  	_ =	swait.ge [sflag:s16], $0x4000  }
0x237: {  	s1 =	sld [smem:$0x7F7]  }
0x238: {  	[sflag:s16] =	ssyncset.done $0x0  }
0x239: {  	[sflag:s16] =	ssyncadd.s32 $0xFFFFC000  }
0x23a: {  	[tilespmem:s7], [sflag:$0x6] =	stream.indirect.gather [hbm4b:s3+s12], $0x80, s1, s12, $0xb8;
	[tilespmem:$0x19000] =	vst v63  }
0x23b: {  	_ =	swait.ge [sflag:s21], $0x4000  }
0x23c: {  	[sflag:s21] =	ssyncset.done $0x0  }
0x23d: {  	s31 =	rddreg [dreg:$0xc];
	[sflag:s21] =	ssyncadd.s32 $0xFFFFC000  }
0x23e: {  	[hbm4b:s31+s2] =	stream.linear.scatter [tilespmem:s17], [sflag:$0x8], $0x4000, $0x38;
	[tilespmem:$0x19000] =	vst v63  }
0x23f: {  	_ =	swait.ge [sflag:s6], $0x4000  }
0x240: {  	s1 =	sld [smem:$0x7F8]  }
0x241: {  	[sflag:s6] =	ssyncset.done $0x0  }
0x242: {  	[sflag:s6] =	ssyncadd.s32 $0xFFFFC000  }
0x243: {  	[tilespmem:s4], [sflag:$0x1] =	stream.indirect.gather [hbm4b:s3+s12], $0x80, s1, s12, $0xb8;
	[tilespmem:$0x19000] =	vst v63  }
0x244: {  	_ =	swait.ge [sflag:s18], $0x4000  }
0x245: {  	[sflag:s18] =	ssyncset.done $0x0  }
0x246: {  	s31 =	rddreg [dreg:$0xd];
	[sflag:s18] =	ssyncadd.s32 $0xFFFFC000  }
0x247: {  	[hbm4b:s31+s2] =	stream.linear.scatter [tilespmem:s14], [sflag:$0x9], $0x4000, $0x38;
	[tilespmem:$0x19000] =	vst v63  }
0x248: {  	_ =	swait.ge [sflag:s8], $0x4000  }
0x249: {  	s1 =	sld [smem:$0x7F9]  }
0x24a: {  	[sflag:s8] =	ssyncset.done $0x0  }
0x24b: {  	[sflag:s8] =	ssyncadd.s32 $0xFFFFC000  }
0x24c: {  	[tilespmem:s17], [sflag:$0x2] =	stream.indirect.gather [hbm4b:s3+s12], $0x80, s1, s12, $0xb8;
	[tilespmem:$0x19000] =	vst v63  }
0x24d: {  	_ =	swait.ge [sflag:s19], $0x4000  }
0x24e: {  	[sflag:s19] =	ssyncset.done $0x0  }
0x24f: {  	s31 =	rddreg [dreg:$0xe];
	[sflag:s19] =	ssyncadd.s32 $0xFFFFC000  }
0x250: {  	[hbm4b:s31+s2] =	stream.linear.scatter [tilespmem:s11], [sflag:$0xA], $0x4000, $0x38;
	[tilespmem:$0x19000] =	vst v63  }
0x251: {  	_ =	swait.ge [sflag:s10], $0x4000  }
0x252: {  	s1 =	sld [smem:$0x7FA]  }
0x253: {  	[sflag:s10] =	ssyncset.done $0x0  }
0x254: {  	[sflag:s10] =	ssyncadd.s32 $0xFFFFC000  }
0x255: {  	[tilespmem:s14], [sflag:$0x3] =	stream.indirect.gather [hbm4b:s3+s12], $0x80, s1, s12, $0xb8;
	[tilespmem:$0x19000] =	vst v63  }
0x256: {  	_ =	swait.ge [sflag:s20], $0x4000  }
0x257: {  	[sflag:s20] =	ssyncset.done $0x0  }
0x258: {  	s31 =	rddreg [dreg:$0xf];
	[sflag:s20] =	ssyncadd.s32 $0xFFFFC000  }
0x259: {  	[hbm4b:s31+s2] =	stream.linear.scatter [tilespmem:s9], [sflag:$0xB], $0x4000, $0x38;
	[tilespmem:$0x19000] =	vst v63  }
0x25a: {  	_ =	swait.ge [sflag:s13], $0x4000  }
0x25b: {  	s1 =	sld [smem:$0x7FB]  }
0x25c: {  	[sflag:s13] =	ssyncset.done $0x0  }
0x25d: {  	[sflag:s13] =	ssyncadd.s32 $0xFFFFC000  }
0x25e: {  	[tilespmem:s11], [sflag:$0x4] =	stream.indirect.gather [hbm4b:s3+s12], $0x80, s1, s12, $0xb8;
	[tilespmem:$0x19000] =	vst v63  }
0x25f: {  	_ =	swait.ge [sflag:s22], $0x4000  }
0x260: {  	[sflag:s22] =	ssyncset.done $0x0  }
0x261: {  	s31 =	rddreg [dreg:$0x10];
	[sflag:s22] =	ssyncadd.s32 $0xFFFFC000  }
0x262: {  	[hbm4b:s31+s2] =	stream.linear.scatter [tilespmem:s7], [sflag:$0xC], $0x4000, $0x38;
	[tilespmem:$0x19000] =	vst v63  }
0x263: {  	_ =	swait.ge [sflag:s15], $0x4000  }
0x264: {  	s1 =	sld [smem:$0x7FC]  }
0x265: {  	[sflag:s15] =	ssyncset.done $0x0  }
0x266: {  	[sflag:s15] =	ssyncadd.s32 $0xFFFFC000  }
0x267: {  	[tilespmem:s9], [sflag:$0x5] =	stream.indirect.gather [hbm4b:s3+s12], $0x80, s1, s12, $0xb8;
	[tilespmem:$0x19000] =	vst v63  }
0x268: {  	_ =	swait.ge [sflag:s5], $0x4000  }
0x269: {  	[sflag:s5] =	ssyncset.done $0x0  }
0x26a: {  	s31 =	rddreg [dreg:$0x11];
	[sflag:s5] =	ssyncadd.s32 $0xFFFFC000  }
0x26b: {  	[hbm4b:s31+s2] =	stream.linear.scatter [tilespmem:s4], [sflag:$0x7], $0x4000, $0x38;
	[tilespmem:$0x19000] =	vst v63  }
0x26c: {  	_ =	swait.ge [sflag:s16], $0x4000  }
0x26d: {  	s1 =	sld [smem:$0x7FD]  }
0x26e: {  	[sflag:s16] =	ssyncset.done $0x0  }
0x26f: {  	[sflag:s16] =	ssyncadd.s32 $0xFFFFC000  }
0x270: {  	[tilespmem:s7], [sflag:$0x6] =	stream.indirect.gather [hbm4b:s3+s12], $0x80, s1, s12, $0xb8;
	[tilespmem:$0x19000] =	vst v63  }
0x271: {  	_ =	swait.ge [sflag:s21], $0x4000  }
0x272: {  	[sflag:s21] =	ssyncset.done $0x0  }
0x273: {  	s31 =	rddreg [dreg:$0x12];
	[sflag:s21] =	ssyncadd.s32 $0xFFFFC000  }
0x274: {  	[hbm4b:s31+s2] =	stream.linear.scatter [tilespmem:s17], [sflag:$0x8], $0x4000, $0x38;
	[tilespmem:$0x19000] =	vst v63  }
0x275: {  	_ =	swait.ge [sflag:s6], $0x4000  }
0x276: {  	[sflag:s6] =	ssyncset.done $0x0  }
0x277: {  	[sflag:s6] =	ssyncadd.s32 $0xFFFFC000  }
0x278: {  	[tilespmem:s4], [sflag:$0x1] =	stream.indirect.gather [hbm4b:s3+s12], $0x80, s24, s12, $0xb8;
	[tilespmem:$0x19000] =	vst v63  }
0x279: {  	_ =	swait.ge [sflag:s18], $0x4000  }
0x27a: {  	[sflag:s18] =	ssyncset.done $0x0  }
0x27b: {  	s1 =	rddreg [dreg:$0x13];
	[sflag:s18] =	ssyncadd.s32 $0xFFFFC000  }
0x27c: {  	[hbm4b:s1+s2] =	stream.linear.scatter [tilespmem:s14], [sflag:$0x9], $0x4000, $0x38;
	[tilespmem:$0x19000] =	vst v63  }
0x27d: {  	_ =	swait.ge [sflag:s8], $0x4000  }
0x27e: {  	[sflag:s8] =	ssyncset.done $0x0  }
0x27f: {  	[sflag:s8] =	ssyncadd.s32 $0xFFFFC000  }
0x280: {  	[tilespmem:s17], [sflag:$0x2] =	stream.indirect.gather [hbm4b:s3+s12], $0x80, s30, s12, $0xb8;
	[tilespmem:$0x19000] =	vst v63  }
0x281: {  	_ =	swait.ge [sflag:s19], $0x4000  }
0x282: {  	[sflag:s19] =	ssyncset.done $0x0  }
0x283: {  	s24 =	rddreg [dreg:$0x14];
	[sflag:s19] =	ssyncadd.s32 $0xFFFFC000  }
0x284: {  	[hbm4b:s24+s2] =	stream.linear.scatter [tilespmem:s11], [sflag:$0xA], $0x4000, $0x38;
	[tilespmem:$0x19000] =	vst v63  }
0x285: {  	_ =	swait.ge [sflag:s10], $0x4000  }
0x286: {  	[sflag:s10] =	ssyncset.done $0x0  }
0x287: {  	[sflag:s10] =	ssyncadd.s32 $0xFFFFC000  }
0x288: {  	[tilespmem:s14], [sflag:$0x3] =	stream.indirect.gather [hbm4b:s3+s12], $0x80, s29, s12, $0xb8;
	[tilespmem:$0x19000] =	vst v63  }
0x289: {  	_ =	swait.ge [sflag:s20], $0x4000  }
0x28a: {  	[sflag:s20] =	ssyncset.done $0x0  }
0x28b: {  	s30 =	rddreg [dreg:$0x15];
	[sflag:s20] =	ssyncadd.s32 $0xFFFFC000  }
0x28c: {  	[hbm4b:s30+s2] =	stream.linear.scatter [tilespmem:s9], [sflag:$0xB], $0x4000, $0x38;
	[tilespmem:$0x19000] =	vst v63  }
0x28d: {  	_ =	swait.ge [sflag:s13], $0x4000  }
0x28e: {  	[sflag:s13] =	ssyncset.done $0x0  }
0x28f: {  	[sflag:s13] =	ssyncadd.s32 $0xFFFFC000  }
0x290: {  	[tilespmem:s11], [sflag:$0x4] =	stream.indirect.gather [hbm4b:s3+s12], $0x80, s28, s12, $0xb8;
	[tilespmem:$0x19000] =	vst v63  }
0x291: {  	_ =	swait.ge [sflag:s22], $0x4000  }
0x292: {  	[sflag:s22] =	ssyncset.done $0x0  }
0x293: {  	s31 =	rddreg [dreg:$0x16];
	[sflag:s22] =	ssyncadd.s32 $0xFFFFC000  }
0x294: {  	[hbm4b:s31+s2] =	stream.linear.scatter [tilespmem:s7], [sflag:$0xC], $0x4000, $0x38;
	[tilespmem:$0x19000] =	vst v63  }
0x295: {  	_ =	swait.ge [sflag:s15], $0x4000  }
0x296: {  	[sflag:s15] =	ssyncset.done $0x0  }
0x297: {  	[sflag:s15] =	ssyncadd.s32 $0xFFFFC000  }
0x298: {  	[tilespmem:s9], [sflag:$0x5] =	stream.indirect.gather [hbm4b:s3+s12], $0x80, s26, s12, $0xb8;
	[tilespmem:$0x19000] =	vst v63  }
0x299: {  	_ =	swait.ge [sflag:s5], $0x4000  }
0x29a: {  	[sflag:s5] =	ssyncset.done $0x0  }
0x29b: {  	s1 =	rddreg [dreg:$0x17];
	[sflag:s5] =	ssyncadd.s32 $0xFFFFC000  }
0x29c: {  	[hbm4b:s1+s2] =	stream.linear.scatter [tilespmem:s4], [sflag:$0x7], $0x4000, $0x38;
	[tilespmem:$0x19000] =	vst v63  }
0x29d: {  	_ =	swait.ge [sflag:s16], $0x4000  }
0x29e: {  	[sflag:s16] =	ssyncset.done $0x0  }
0x29f: {  	[sflag:s16] =	ssyncadd.s32 $0xFFFFC000  }
0x2a0: {  	[tilespmem:s7], [sflag:$0x6] =	stream.indirect.gather [hbm4b:s3+s12], $0x80, s25, s12, $0xb8;
	[tilespmem:$0x19000] =	vst v63  }
0x2a1: {  	_ =	swait.ge [sflag:s21], $0x4000  }
0x2a2: {  	[sflag:s21] =	ssyncset.done $0x0  }
0x2a3: {  	s24 =	rddreg [dreg:$0x18];
	[sflag:s21] =	ssyncadd.s32 $0xFFFFC000  }
0x2a4: {  	[hbm4b:s24+s2] =	stream.linear.scatter [tilespmem:s17], [sflag:$0x8], $0x4000, $0x38;
	[tilespmem:$0x19000] =	vst v63  }
0x2a5: {  	_ =	swait.ge [sflag:s6], $0x4000  }
0x2a6: {  	[sflag:s6] =	ssyncset.done $0x0  }
0x2a7: {  	s25 =	simm.s32 $0xC00;
	[sflag:s6] =	ssyncadd.s32 $0xFFFFC000  }
0x2a8: {  	[tilespmem:s4], [sflag:$0x1] =	stream.indirect.gather [hbm4b:s3+s12], $0x80, s25, s12, $0xb8;
	[tilespmem:$0x19000] =	vst v63  }
0x2a9: {  	_ =	swait.ge [sflag:s18], $0x4000  }
0x2aa: {  	[sflag:s18] =	ssyncset.done $0x0  }
0x2ab: {  	s26 =	rddreg [dreg:$0x19];
	[sflag:s18] =	ssyncadd.s32 $0xFFFFC000  }
0x2ac: {  	[hbm4b:s26+s2] =	stream.linear.scatter [tilespmem:s14], [sflag:$0x9], $0x4000, $0x38;
	[tilespmem:$0x19000] =	vst v63  }
0x2ad: {  	_ =	swait.ge [sflag:s19], $0x4000  }
0x2ae: {  	[sflag:s19] =	ssyncset.done $0x0  }
0x2af: {  	s28 =	rddreg [dreg:$0x1a];
	[sflag:s19] =	ssyncadd.s32 $0xFFFFC000  }
0x2b0: {  	[hbm4b:s28+s2] =	stream.linear.scatter [tilespmem:s11], [sflag:$0xA], $0x4000, $0x38;
	[tilespmem:$0x19000] =	vst v63  }
0x2b1: {  	_ =	swait.ge [sflag:s20], $0x4000  }
0x2b2: {  	[sflag:s20] =	ssyncset.done $0x0  }
0x2b3: {  	s29 =	rddreg [dreg:$0x1b];
	[sflag:s20] =	ssyncadd.s32 $0xFFFFC000  }
0x2b4: {  	[hbm4b:s29+s2] =	stream.linear.scatter [tilespmem:s9], [sflag:$0xB], $0x4000, $0x38;
	[tilespmem:$0x19000] =	vst v63  }
0x2b5: {  	_ =	swait.ge [sflag:s22], $0x4000  }
0x2b6: {  	[sflag:s22] =	ssyncset.done $0x0  }
0x2b7: {  	s30 =	rddreg [dreg:$0x1c];
	[sflag:s22] =	ssyncadd.s32 $0xFFFFC000  }
0x2b8: {  	[hbm4b:s30+s2] =	stream.linear.scatter [tilespmem:s7], [sflag:$0xC], $0x4000, $0x38;
	[tilespmem:$0x19000] =	vst v63  }
0x2b9: {  	_ =	swait.ge [sflag:s5], $0x4000  }
0x2ba: {  	[sflag:s5] =	ssyncset.done $0x0  }
0x2bb: {  	s31 =	rddreg [dreg:$0x1d];
	[sflag:s5] =	ssyncadd.s32 $0xFFFFC000  }
0x2bc: {  	[hbm4b:s31+s2] =	stream.linear.scatter [tilespmem:s4], [sflag:$0x7], $0x4000, $0x38;
	[tilespmem:$0x19000] =	vst v63  }
0x2bd: {  	_ =	swait.ge [sflag:s6], $0x4000  }
0x2be: {  	[sflag:s6] =	ssyncset.done $0x0  }
0x2bf: {  	[sflag:s6] =	ssyncadd.s32 $0xFFFFC000  }
0x2c0: {  	_ =	swait.ge [sflag:s8], $0x4000  }
0x2c1: {  	[sflag:s8] =	ssyncset.done $0x0  }
0x2c2: {  	[sflag:s8] =	ssyncadd.s32 $0xFFFFC000  }
0x2c3: {  	_ =	swait.ge [sflag:s10], $0x4000  }
0x2c4: {  	[sflag:s10] =	ssyncset.done $0x0  }
0x2c5: {  	[sflag:s10] =	ssyncadd.s32 $0xFFFFC000  }
0x2c6: {  	_ =	swait.ge [sflag:s13], $0x4000  }
0x2c7: {  	[sflag:s13] =	ssyncset.done $0x0  }
0x2c8: {  	[sflag:s13] =	ssyncadd.s32 $0xFFFFC000  }
0x2c9: {  	_ =	swait.ge [sflag:s15], $0x4000  }
0x2ca: {  	[sflag:s15] =	ssyncset.done $0x0  }
0x2cb: {  	[sflag:s15] =	ssyncadd.s32 $0xFFFFC000  }
0x2cc: {  	_ =	swait.ge [sflag:s16], $0x4000  }
0x2cd: {  	[sflag:s16] =	ssyncset.done $0x0  }
0x2ce: {  	[sflag:s16] =	ssyncadd.s32 $0xFFFFC000  }
0x2cf: {  	_ =	sfence.sel $0x180000  }
0x2d0: {  	[bflag:$0x0] =	sbarrier.arrive $0xFFFF  }
0x2d1: {  	_ =	strace $0x90000047  }
0x2d2: {  	[bflag:$0x2] =	sbarrier.arrive $0xFFFF  }
0x2d3: {  	p0 =	sne.s32 s23, $0x0;
	s0 =	rddreg [dreg:$0x3]  }
0x2d4: {  	s0 =	sadd.s32 @!p0 $0x100000, s0  }
0x2d5: {  	[sflag:s0] =	ssyncadd.tile.s32 @!p0 $0x1;
	_ =	shalt  }
.LBB2_1:
.Ltmp3:
0x2d6: {  	(pc) =	sbr.rel .LBB2_6-.Ltmp3, $3  }
0x2d7: {  	_ =	sdelay $0x1  }
0x2d8: {  	s24 =	simm.s32 $0x900;
	s30 =	simm.s32 $0x980;
	s29 =	simm.s32 $0xA00  }
0x2d9: {  	s28 =	simm.s32 $0xA80;
	s26 =	simm.s32 $0xB00;
	s25 =	simm.s32 $0xB80  }
.LBB2_3:
.Ltmp4:
0x2da: {  	(pc) =	sbr.rel .LBB2_6-.Ltmp4, $4  }
0x2db: {  	_ = 	snop  }
0x2dc: {  	s24 =	simm.s32 $0x900  }
0x2dd: {  	s30 =	simm.s32 $0x980;
	s29 =	simm.s32 $0xA00;
	s28 =	simm.s32 $0xA80  }
0x2de: {  	s26 =	simm.s32 $0xB00;
	s25 =	simm.s32 $0xB80;
	s23 =	stileid.u32  }
.Lfunc_end2:
_tile_overlayer_lowered:
.L_overlay_start_2:
0x2df: {  	(tag) =	ssettag $0x2  }
0x2e0: {  	s0 =	rddreg [dreg:$0x0];
	s2 =	stileid.u32  }
0x2e1: {  	s1 =	rddreg [dreg:$0x1];
	p0 =	sne.s32 s2, $0x0  }
0x2e2: {  	s3 =	rddreg [dreg:$0x2];
	[bflag:$0x3] =	sbarrier.arrive $0xFFFF;
	s2 =	simm.s32 @!p0 $0x1C0D  }
0x2e3: {  	[timem:s3], [sflag:s2] =	dma.local @!p0 [hbm:s0], s1  }
0x2e4: {  	s0 =	simm.s32 @!p0 $0xD  }
0x2e5: {  	_ =	swait.ge @!p0 [sflag:s0], s1  }
0x2e6: {  	s1 =	ssub.s32 @!p0 $0x0, s1;
	[sflag:s0] =	ssyncset.done @!p0 $0x0  }
0x2e7: {  	[sflag:s0] =	ssyncadd.s32 @!p0 s1  }
0x2e8: {  	[bflag:$0x3] =	sbarrier.arrive $0xFFFF  }
0x2e9: {  	_ =	shalt  }

</sc_bundles>
